<compile_context>
chip_gen: v7x
topology: tpu7x:2x2x1
jax: 0.10.2.dev20260603
libtpu: 0.0.44.dev20260713+nightly
codegen_flags: <defaults>
</compile_context>

<pallas_src>
import jax
import jax.numpy as jnp
from jax import lax
from jax.experimental import pallas as pl
from jax.experimental.pallas import tpu as pltpu
from jax.experimental.pallas import tpu_sc as plsc

N_NODES = 10000
N_EDGES = 320000
D = 128

NC = 2
NS = 16
NW = NC * NS

CHUNK = 128
CHUNKS_PER_TILE = 80
PASS = CHUNKS_PER_TILE // 2
E_PAD = NW * CHUNKS_PER_TILE * CHUNK
N_CHUNKS = E_PAD // CHUNK
H_ROWS = N_NODES + 8

ROWS_PER_SUB = 624
TAIL_ROWS = N_NODES - ROWS_PER_SUB * NS
TAIL_BASE = ROWS_PER_SUB * NS


def _mm_body(f_ref, wt_ref, n_ref, o_ref):
    o_ref[...] = (
        jnp.dot(f_ref[...], wt_ref[...], preferred_element_type=jnp.float32)
        * n_ref[...]
    )


def _final_body(p_ref, n_ref, o_ref):
    s = p_ref[0] + p_ref[1]
    o_ref[...] = jnp.maximum(s * n_ref[...], 0.0)


def _sc_body(
    h_hbm, src_hbm, dst_hbm, zero_hbm, out_hbm,
    idx_s, idx_d, rows0, rows1, sem0, sem1, acc,
):
    rows = (rows0, rows1)
    sem = (sem0, sem1)
    cid = lax.axis_index("c")
    sid = lax.axis_index("s")
    wid = sid * NC + cid

    base_rows = sid * ROWS_PER_SUB
    pltpu.sync_copy(
        zero_hbm.at[pl.ds(base_rows, ROWS_PER_SUB)],
        acc.at[pl.ds(base_rows, ROWS_PER_SUB)],
    )

    @pl.when(sid == 0)
    def _():
        pltpu.sync_copy(
            zero_hbm.at[pl.ds(TAIL_BASE, TAIL_ROWS)],
            acc.at[pl.ds(TAIL_BASE, TAIL_ROWS)],
        )

    plsc.subcore_barrier()

    for p in (0, 1):
        pass_base = wid * CHUNKS_PER_TILE + p * PASS
        pltpu.sync_copy(src_hbm.at[pl.ds(pass_base, PASS)], idx_s)
        pltpu.sync_copy(dst_hbm.at[pl.ds(pass_base, PASS)], idx_d)

        pltpu.async_copy(h_hbm.at[idx_s.at[0]], rows[0], sem[0])

        def body(i, carry):
            for b in (0, 1):
                j = 2 * i + b
                nb = 1 - b

                @pl.when(j + 1 < PASS)
                def _():
                    pltpu.async_copy(h_hbm.at[idx_s.at[j + 1]], rows[nb], sem[nb])

                pltpu.make_async_copy(
                    h_hbm.at[pl.ds(0, CHUNK)], rows[b], sem[b]
                ).wait()
                pltpu.sync_copy(rows[b], acc.at[idx_d.at[j]], add=True)
            return carry

        lax.fori_loop(0, PASS // 2, body, 0)

    plsc.subcore_barrier()
    pltpu.sync_copy(
        acc.at[pl.ds(base_rows, ROWS_PER_SUB)],
        out_hbm.at[cid, pl.ds(base_rows, ROWS_PER_SUB)],
    )

    @pl.when(sid == 0)
    def _():
        pltpu.sync_copy(
            acc.at[pl.ds(TAIL_BASE, TAIL_ROWS)],
            out_hbm.at[cid, pl.ds(TAIL_BASE, TAIL_ROWS)],
        )


def _make_sc_call():
    mesh = plsc.VectorSubcoreMesh(core_axis_name="c", subcore_axis_name="s")
    return pl.kernel(
        _sc_body,
        out_type=jax.ShapeDtypeStruct((NC, N_NODES, D), jnp.float32),
        mesh=mesh,
        scratch_types=[
            pltpu.VMEM((PASS, CHUNK), jnp.int32),
            pltpu.VMEM((PASS, CHUNK), jnp.int32),
            pltpu.VMEM((CHUNK, D), jnp.float32),
            pltpu.VMEM((CHUNK, D), jnp.float32),
            pltpu.SemaphoreType.DMA,
            pltpu.SemaphoreType.DMA,
            pltpu.VMEM_SHARED((N_NODES, D), jnp.float32),
        ],
    )


@jax.jit
def kernel(feature, edge_index, norm, W):
    R = 1000

    h = pl.pallas_call(
        _mm_body,
        grid=(N_NODES // R,),
        in_specs=[
            pl.BlockSpec((R, D), lambda i: (i, 0)),
            pl.BlockSpec((D, D), lambda i: (0, 0)),
            pl.BlockSpec((R, 1), lambda i: (i, 0)),
        ],
        out_specs=pl.BlockSpec((R, D), lambda i: (i, 0)),
        out_shape=jax.ShapeDtypeStruct((N_NODES, D), jnp.float32),
    )(feature, W.T, norm)

    pad = E_PAD - N_EDGES
    h = jnp.concatenate([h, jnp.zeros((H_ROWS - N_NODES, D), jnp.float32)])
    pad_ids = jnp.arange(pad, dtype=jnp.int32)
    src = jnp.concatenate(
        [edge_index[0].astype(jnp.int32), N_NODES + pad_ids % 8]
    ).reshape(N_CHUNKS, CHUNK)
    dst = jnp.concatenate(
        [edge_index[1].astype(jnp.int32), pad_ids % N_NODES]
    ).reshape(N_CHUNKS, CHUNK)
    zeros = jnp.zeros((N_NODES, D), jnp.float32)

    partials = _make_sc_call()(h, src, dst, zeros)

    out = pl.pallas_call(
        _final_body,
        grid=(N_NODES // R,),
        in_specs=[
            pl.BlockSpec((NC, R, D), lambda i: (0, i, 0)),
            pl.BlockSpec((R, 1), lambda i: (i, 0)),
        ],
        out_specs=pl.BlockSpec((R, D), lambda i: (i, 0)),
        out_shape=jax.ShapeDtypeStruct((N_NODES, D), jnp.float32),
    )(partials, norm)
    return out

# --- scband reference (transcript-rebuilt; emitter-appended) ---
"""Pipeline reference for scband-gcnsingle-head-7164005450395 (READ-ONLY COPY).

The authoritative reference and input builder live on the scoring server;
editing this copy changes nothing except your own understanding.
"""

import jax, jax.numpy as jnp
import numpy as np

N_NODES = 10000
N_EDGES = 320000
D_IN = 128
D_OUT = 128


def setup_inputs(seed: int = 0) -> dict:
    key = jax.random.key(seed)
    k1, k2, k3, k4 = jax.random.split(key, 4)
    feature = jax.random.normal(k1, (N_NODES, D_IN), dtype=jnp.float32)
    edge_index = jax.random.randint(k2, (2, N_EDGES), 0, N_NODES, dtype=jnp.int64)
    norm = jax.random.uniform(k3, (N_NODES, 1), dtype=jnp.float32)
    # Xavier-uniform linear weight, shape [out_feats, in_feats] like torch nn.Linear
    limit = float(np.sqrt(6.0 / (D_IN + D_OUT)))
    W = jax.random.uniform(k4, (D_OUT, D_IN), dtype=jnp.float32, minval=-limit, maxval=limit)
    return {"feature": feature, "edge_index": edge_index, "norm": norm, "W": W}


def reference(feature, edge_index, norm, W):
    # dropout_prob = 0.0 -> identity
    h = feature @ W.T                       # linear, no bias
    h = h * norm                            # pre-aggregation normalization
    src = edge_index[0]
    dst = edge_index[1]
    messages = jnp.take(h, src, axis=0)     # gather source features (message_func)
    agg = jax.ops.segment_sum(messages, dst, num_segments=N_NODES)  # reduce_func: sum
    h = agg * norm                          # post-aggregation normalization
    h = jax.nn.relu(h)                      # activation
    return h

if __name__ == "__main__":
    import jax
    _d = setup_inputs()
    print(jax.jit(kernel)(*tuple(_d.values())))

</pallas_src>

<mosaic_0001>
#map = affine_map<(d0, d1) -> (0, 0)>
#map1 = affine_map<(d0, d1) -> (0, 0, 0)>
module attributes {stable_mosaic.version = 14 : i64} {
  func.func @_sc_body(%arg0: i32, %arg1: i32, %arg2: memref<10008x128xf32, #tpu.memory_space<hbm>>, %arg3: memref<2560x128xi32, #tpu.memory_space<hbm>>, %arg4: memref<2560x128xi32, #tpu.memory_space<hbm>>, %arg5: memref<10000x128xf32, #tpu.memory_space<hbm>>, %arg6: memref<2x10000x128xf32, #tpu.memory_space<hbm>>, %arg7: memref<40x128xi32, #tpu.memory_space<vmem>>, %arg8: memref<40x128xi32, #tpu.memory_space<vmem>>, %arg9: memref<128x128xf32, #tpu.memory_space<vmem>>, %arg10: memref<128x128xf32, #tpu.memory_space<vmem>>, %arg11: memref<!tpu.dma_semaphore, #tpu.memory_space<semaphore_mem>>, %arg12: memref<!tpu.dma_semaphore, #tpu.memory_space<semaphore_mem>>, %arg13: memref<10000x128xf32, #tpu.memory_space<vmem_shared>>) attributes {dimension_semantics = [#tpu.dimension_semantics<core_parallel>, #tpu.dimension_semantics<subcore_parallel>], iteration_bounds = array<i64: 2, 16>, scalar_prefetch = 0 : i64, scratch_operands = 7 : i64, tpu.core_type = #tpu.core_type<sc_vector_subcore>, window_params = [{transform_indices = #map}, {transform_indices = #map}, {transform_indices = #map}, {transform_indices = #map}, {transform_indices = #map1}]} {
    %mul3A = arith.constant 2 : i32
    %mul3A_0 = arith.muli %arg1, %mul3A : i32
    %add3A = arith.addi %mul3A_0, %arg0 : i32
    %mul3A_1 = arith.constant 624 : i32
    %mul3A_2 = arith.muli %arg1, %mul3A_1 : i32
    "tpu.region"() ({
      %run_scoped3A = tpu.sem_alloc : memref<!tpu.dma_semaphore, #tpu.memory_space<semaphore_mem>>
      %dma_start3A_43 = arith.constant 0 : i32
      %dma_start3A_44 = tpu.memref_slice %arg13[%mul3A_2, %dma_start3A_43] : memref<10000x128xf32, #tpu.memory_space<vmem_shared>> -> memref<624x128xf32, #tpu.memory_space<vmem_shared>>
      %dma_start3A_45 = arith.constant 0 : i32
      %dma_start3A_46 = tpu.memref_slice %arg5[%mul3A_2, %dma_start3A_45] : memref<10000x128xf32, #tpu.memory_space<hbm>> -> memref<624x128xf32, #tpu.memory_space<hbm>>
      tpu.enqueue_dma source(%dma_start3A_46 : memref<624x128xf32, #tpu.memory_space<hbm>>) target(%dma_start3A_44 : memref<624x128xf32, #tpu.memory_space<vmem_shared>>) target_semaphore(%run_scoped3A : memref<!tpu.dma_semaphore, #tpu.memory_space<semaphore_mem>>)
      %dma_wait3A = arith.constant 0 : i32
      %dma_wait3A_47 = tpu.memref_slice %arg13[%mul3A_2, %dma_wait3A] : memref<10000x128xf32, #tpu.memory_space<vmem_shared>> -> memref<624x128xf32, #tpu.memory_space<vmem_shared>>
      %dma_wait3A_48 = arith.constant 0 : i32
      %dma_wait3A_49 = tpu.memref_slice %arg5[%mul3A_2, %dma_wait3A_48] : memref<10000x128xf32, #tpu.memory_space<hbm>> -> memref<624x128xf32, #tpu.memory_space<hbm>>
      tpu.wait_dma2 semaphore(%run_scoped3A : memref<!tpu.dma_semaphore, #tpu.memory_space<semaphore_mem>>) src(%dma_wait3A_49 : memref<624x128xf32, #tpu.memory_space<hbm>>) dst(%dma_wait3A_47 : memref<624x128xf32, #tpu.memory_space<vmem_shared>>)
      tpu.yield
    }) : () -> ()
    %eq3A = arith.constant 0 : i32
    %eq3A_3 = arith.cmpi eq, %arg1, %eq3A : i32
    %convert_element_type3A = arith.extui %eq3A_3 : i1 to i32
    %cond3A = arith.constant 0 : i32
    %cond3A_4 = arith.cmpi ne, %convert_element_type3A, %cond3A : i32
    scf.if %cond3A_4 {
      "tpu.region"() ({
        %run_scoped3A = tpu.sem_alloc : memref<!tpu.dma_semaphore, #tpu.memory_space<semaphore_mem>>
        %dma_start3A_43 = arith.constant 9984 : i32
        %dma_start3A_44 = arith.constant 0 : i32
        %dma_start3A_45 = tpu.memref_slice %arg13[%dma_start3A_43, %dma_start3A_44] : memref<10000x128xf32, #tpu.memory_space<vmem_shared>> -> memref<16x128xf32, #tpu.memory_space<vmem_shared>>
        %dma_start3A_46 = arith.constant 9984 : i32
        %dma_start3A_47 = arith.constant 0 : i32
        %dma_start3A_48 = tpu.memref_slice %arg5[%dma_start3A_46, %dma_start3A_47] : memref<10000x128xf32, #tpu.memory_space<hbm>> -> memref<16x128xf32, #tpu.memory_space<hbm>>
        tpu.enqueue_dma source(%dma_start3A_48 : memref<16x128xf32, #tpu.memory_space<hbm>>) target(%dma_start3A_45 : memref<16x128xf32, #tpu.memory_space<vmem_shared>>) target_semaphore(%run_scoped3A : memref<!tpu.dma_semaphore, #tpu.memory_space<semaphore_mem>>)
        %dma_wait3A = arith.constant 9984 : i32
        %dma_wait3A_49 = arith.constant 0 : i32
        %dma_wait3A_50 = tpu.memref_slice %arg13[%dma_wait3A, %dma_wait3A_49] : memref<10000x128xf32, #tpu.memory_space<vmem_shared>> -> memref<16x128xf32, #tpu.memory_space<vmem_shared>>
        %dma_wait3A_51 = arith.constant 9984 : i32
        %dma_wait3A_52 = arith.constant 0 : i32
        %dma_wait3A_53 = tpu.memref_slice %arg5[%dma_wait3A_51, %dma_wait3A_52] : memref<10000x128xf32, #tpu.memory_space<hbm>> -> memref<16x128xf32, #tpu.memory_space<hbm>>
        tpu.wait_dma2 semaphore(%run_scoped3A : memref<!tpu.dma_semaphore, #tpu.memory_space<semaphore_mem>>) src(%dma_wait3A_53 : memref<16x128xf32, #tpu.memory_space<hbm>>) dst(%dma_wait3A_50 : memref<16x128xf32, #tpu.memory_space<vmem_shared>>)
        tpu.yield
      }) : () -> ()
    } else {
    }
    %barrier3A = arith.constant 0 : index
    tpu.barrier barrier_id(%barrier3A)
    %mul3A_5 = arith.constant 80 : i32
    %mul3A_6 = arith.muli %add3A, %mul3A_5 : i32
    %add3A_7 = arith.constant 0 : i32
    %add3A_8 = arith.addi %mul3A_6, %add3A_7 : i32
    "tpu.region"() ({
      %run_scoped3A = tpu.sem_alloc : memref<!tpu.dma_semaphore, #tpu.memory_space<semaphore_mem>>
      %dma_start3A_43 = arith.constant 0 : i32
      %dma_start3A_44 = tpu.memref_slice %arg3[%add3A_8, %dma_start3A_43] : memref<2560x128xi32, #tpu.memory_space<hbm>> -> memref<40x128xi32, #tpu.memory_space<hbm>>
      %dma_start3A_45 = arith.constant 0 : i32
      %dma_start3A_46 = tpu.memref_slice %arg3[%add3A_8, %dma_start3A_45] : memref<2560x128xi32, #tpu.memory_space<hbm>> -> memref<40x128xi32, #tpu.memory_space<hbm>>
      tpu.enqueue_dma source(%dma_start3A_46 : memref<40x128xi32, #tpu.memory_space<hbm>>) target(%arg7 : memref<40x128xi32, #tpu.memory_space<vmem>>) target_semaphore(%run_scoped3A : memref<!tpu.dma_semaphore, #tpu.memory_space<semaphore_mem>>)
      %dma_wait3A = arith.constant 0 : i32
      %dma_wait3A_47 = tpu.memref_slice %arg3[%add3A_8, %dma_wait3A] : memref<2560x128xi32, #tpu.memory_space<hbm>> -> memref<40x128xi32, #tpu.memory_space<hbm>>
      %dma_wait3A_48 = arith.constant 0 : i32
      %dma_wait3A_49 = tpu.memref_slice %arg3[%add3A_8, %dma_wait3A_48] : memref<2560x128xi32, #tpu.memory_space<hbm>> -> memref<40x128xi32, #tpu.memory_space<hbm>>
      tpu.wait_dma2 semaphore(%run_scoped3A : memref<!tpu.dma_semaphore, #tpu.memory_space<semaphore_mem>>) src(%dma_wait3A_49 : memref<40x128xi32, #tpu.memory_space<hbm>>) dst(%arg7 : memref<40x128xi32, #tpu.memory_space<vmem>>)
      tpu.yield
    }) : () -> ()
    "tpu.region"() ({
      %run_scoped3A = tpu.sem_alloc : memref<!tpu.dma_semaphore, #tpu.memory_space<semaphore_mem>>
      %dma_start3A_43 = arith.constant 0 : i32
      %dma_start3A_44 = tpu.memref_slice %arg4[%add3A_8, %dma_start3A_43] : memref<2560x128xi32, #tpu.memory_space<hbm>> -> memref<40x128xi32, #tpu.memory_space<hbm>>
      %dma_start3A_45 = arith.constant 0 : i32
      %dma_start3A_46 = tpu.memref_slice %arg4[%add3A_8, %dma_start3A_45] : memref<2560x128xi32, #tpu.memory_space<hbm>> -> memref<40x128xi32, #tpu.memory_space<hbm>>
      tpu.enqueue_dma source(%dma_start3A_46 : memref<40x128xi32, #tpu.memory_space<hbm>>) target(%arg8 : memref<40x128xi32, #tpu.memory_space<vmem>>) target_semaphore(%run_scoped3A : memref<!tpu.dma_semaphore, #tpu.memory_space<semaphore_mem>>)
      %dma_wait3A = arith.constant 0 : i32
      %dma_wait3A_47 = tpu.memref_slice %arg4[%add3A_8, %dma_wait3A] : memref<2560x128xi32, #tpu.memory_space<hbm>> -> memref<40x128xi32, #tpu.memory_space<hbm>>
      %dma_wait3A_48 = arith.constant 0 : i32
      %dma_wait3A_49 = tpu.memref_slice %arg4[%add3A_8, %dma_wait3A_48] : memref<2560x128xi32, #tpu.memory_space<hbm>> -> memref<40x128xi32, #tpu.memory_space<hbm>>
      tpu.wait_dma2 semaphore(%run_scoped3A : memref<!tpu.dma_semaphore, #tpu.memory_space<semaphore_mem>>) src(%dma_wait3A_49 : memref<40x128xi32, #tpu.memory_space<hbm>>) dst(%arg8 : memref<40x128xi32, #tpu.memory_space<vmem>>)
      tpu.yield
    }) : () -> ()
    %dma_start3A = arith.constant 0 : i32
    %dma_start3A_9 = arith.constant 0 : i32
    %dma_start3A_10 = tpu.memref_slice %arg7[%dma_start3A, %dma_start3A_9] : memref<40x128xi32, #tpu.memory_space<vmem>> -> memref<1x128xi32, #tpu.memory_space<vmem>>
    %dma_start3A_11 = tpu.memref_squeeze %dma_start3A_10 : memref<1x128xi32, #tpu.memory_space<vmem>> -> memref<128xi32, #tpu.memory_space<vmem>>
    %dma_start3A_12 = arith.constant 0 : i32
    %dma_start3A_13 = arith.constant 0 : i32
    %dma_start3A_14 = tpu.memref_slice %arg2[%dma_start3A_12, %dma_start3A_13] : memref<10008x128xf32, #tpu.memory_space<hbm>> -> memref<10008x128xf32, #tpu.memory_space<hbm>>
    tpu.enqueue_indirect_dma source(%dma_start3A_14 : memref<10008x128xf32, #tpu.memory_space<hbm>>) target(%arg9 : memref<128x128xf32, #tpu.memory_space<vmem>>) offsets(%dma_start3A_11 : memref<128xi32, #tpu.memory_space<vmem>>) semaphore(%arg11 : memref<!tpu.dma_semaphore, #tpu.memory_space<semaphore_mem>>)
    %scan3A = arith.constant 0 : i32
    %scan3A_15 = arith.constant 0 : i32
    %scan3A_16 = arith.constant 20 : i32
    %scan3A_17 = arith.addi %scan3A_15, %scan3A_16 : i32
    %scan3A_18 = arith.constant 1 : i32
    scf.for %scan3A_43 = %scan3A_15 to %scan3A_17 step %scan3A_18  : i32 {
      %mul3A_44 = arith.constant 2 : i32
      %mul3A_45 = arith.muli %mul3A_44, %scan3A_43 : i32
      %add3A_46 = arith.constant 0 : i32
      %add3A_47 = arith.addi %mul3A_45, %add3A_46 : i32
      %add3A_48 = arith.constant 1 : i32
      %add3A_49 = arith.addi %add3A_47, %add3A_48 : i32
      %lt3A = arith.constant 40 : i32
      %lt3A_50 = arith.cmpi slt, %add3A_49, %lt3A : i32
      %convert_element_type3A_51 = arith.extui %lt3A_50 : i1 to i32
      %cond3A_52 = arith.constant 0 : i32
      %cond3A_53 = arith.cmpi ne, %convert_element_type3A_51, %cond3A_52 : i32
      scf.if %cond3A_53 {
        %add3A_76 = arith.constant 1 : i32
        %add3A_77 = arith.addi %add3A_47, %add3A_76 : i32
        %dma_start3A_78 = arith.constant 0 : i32
        %dma_start3A_79 = tpu.memref_slice %arg7[%add3A_77, %dma_start3A_78] : memref<40x128xi32, #tpu.memory_space<vmem>> -> memref<1x128xi32, #tpu.memory_space<vmem>>
        %dma_start3A_80 = tpu.memref_squeeze %dma_start3A_79 : memref<1x128xi32, #tpu.memory_space<vmem>> -> memref<128xi32, #tpu.memory_space<vmem>>
        %dma_start3A_81 = arith.constant 0 : i32
        %dma_start3A_82 = arith.constant 0 : i32
        %dma_start3A_83 = tpu.memref_slice %arg2[%dma_start3A_81, %dma_start3A_82] : memref<10008x128xf32, #tpu.memory_space<hbm>> -> memref<10008x128xf32, #tpu.memory_space<hbm>>
        tpu.enqueue_indirect_dma source(%dma_start3A_83 : memref<10008x128xf32, #tpu.memory_space<hbm>>) target(%arg10 : memref<128x128xf32, #tpu.memory_space<vmem>>) offsets(%dma_start3A_80 : memref<128xi32, #tpu.memory_space<vmem>>) semaphore(%arg12 : memref<!tpu.dma_semaphore, #tpu.memory_space<semaphore_mem>>)
      } else {
      }
      %dma_wait3A = arith.constant 0 : i32
      %dma_wait3A_54 = arith.constant 0 : i32
      %dma_wait3A_55 = tpu.memref_slice %arg2[%dma_wait3A, %dma_wait3A_54] : memref<10008x128xf32, #tpu.memory_space<hbm>> -> memref<128x128xf32, #tpu.memory_space<hbm>>
      %dma_wait3A_56 = arith.constant 0 : i32
      %dma_wait3A_57 = arith.constant 0 : i32
      %dma_wait3A_58 = tpu.memref_slice %arg2[%dma_wait3A_56, %dma_wait3A_57] : memref<10008x128xf32, #tpu.memory_space<hbm>> -> memref<128x128xf32, #tpu.memory_space<hbm>>
      tpu.wait_dma2 semaphore(%arg11 : memref<!tpu.dma_semaphore, #tpu.memory_space<semaphore_mem>>) src(%dma_wait3A_58 : memref<128x128xf32, #tpu.memory_space<hbm>>) dst(%arg9 : memref<128x128xf32, #tpu.memory_space<vmem>>)
      "tpu.region"() ({
        %run_scoped3A = tpu.sem_alloc : memref<!tpu.dma_semaphore, #tpu.memory_space<semaphore_mem>>
        %dma_start3A_76 = arith.constant 0 : i32
        %dma_start3A_77 = tpu.memref_slice %arg8[%add3A_47, %dma_start3A_76] : memref<40x128xi32, #tpu.memory_space<vmem>> -> memref<1x128xi32, #tpu.memory_space<vmem>>
        %dma_start3A_78 = tpu.memref_squeeze %dma_start3A_77 : memref<1x128xi32, #tpu.memory_space<vmem>> -> memref<128xi32, #tpu.memory_space<vmem>>
        %dma_start3A_79 = arith.constant 0 : i32
        %dma_start3A_80 = arith.constant 0 : i32
        %dma_start3A_81 = tpu.memref_slice %arg13[%dma_start3A_79, %dma_start3A_80] : memref<10000x128xf32, #tpu.memory_space<vmem_shared>> -> memref<10000x128xf32, #tpu.memory_space<vmem_shared>>
        tpu.enqueue_indirect_dma source(%arg9 : memref<128x128xf32, #tpu.memory_space<vmem>>) target(%dma_start3A_81 : memref<10000x128xf32, #tpu.memory_space<vmem_shared>>) offsets(%dma_start3A_78 : memref<128xi32, #tpu.memory_space<vmem>>) semaphore(%run_scoped3A : memref<!tpu.dma_semaphore, #tpu.memory_space<semaphore_mem>>) {add = true}
        %dma_wait3A_82 = arith.constant 0 : i32
        %dma_wait3A_83 = tpu.memref_slice %arg8[%add3A_47, %dma_wait3A_82] : memref<40x128xi32, #tpu.memory_space<vmem>> -> memref<1x128xi32, #tpu.memory_space<vmem>>
        %dma_wait3A_84 = tpu.memref_squeeze %dma_wait3A_83 : memref<1x128xi32, #tpu.memory_space<vmem>> -> memref<128xi32, #tpu.memory_space<vmem>>
        %dma_wait3A_85 = arith.constant 0 : i32
        %dma_wait3A_86 = arith.constant 0 : i32
        %dma_wait3A_87 = tpu.memref_slice %arg13[%dma_wait3A_85, %dma_wait3A_86] : memref<10000x128xf32, #tpu.memory_space<vmem_shared>> -> memref<10000x128xf32, #tpu.memory_space<vmem_shared>>
        tpu.wait_indirect_dma semaphore(%run_scoped3A : memref<!tpu.dma_semaphore, #tpu.memory_space<semaphore_mem>>) src(%arg9 : memref<128x128xf32, #tpu.memory_space<vmem>>) dst(%dma_wait3A_87 : memref<10000x128xf32, #tpu.memory_space<vmem_shared>>)
        tpu.yield
      }) : () -> ()
      %mul3A_59 = arith.constant 2 : i32
      %mul3A_60 = arith.muli %mul3A_59, %scan3A_43 : i32
      %add3A_61 = arith.constant 1 : i32
      %add3A_62 = arith.addi %mul3A_60, %add3A_61 : i32
      %add3A_63 = arith.constant 1 : i32
      %add3A_64 = arith.addi %add3A_62, %add3A_63 : i32
      %lt3A_65 = arith.constant 40 : i32
      %lt3A_66 = arith.cmpi slt, %add3A_64, %lt3A_65 : i32
      %convert_element_type3A_67 = arith.extui %lt3A_66 : i1 to i32
      %cond3A_68 = arith.constant 0 : i32
      %cond3A_69 = arith.cmpi ne, %convert_element_type3A_67, %cond3A_68 : i32
      scf.if %cond3A_69 {
        %add3A_76 = arith.constant 1 : i32
        %add3A_77 = arith.addi %add3A_62, %add3A_76 : i32
        %dma_start3A_78 = arith.constant 0 : i32
        %dma_start3A_79 = tpu.memref_slice %arg7[%add3A_77, %dma_start3A_78] : memref<40x128xi32, #tpu.memory_space<vmem>> -> memref<1x128xi32, #tpu.memory_space<vmem>>
        %dma_start3A_80 = tpu.memref_squeeze %dma_start3A_79 : memref<1x128xi32, #tpu.memory_space<vmem>> -> memref<128xi32, #tpu.memory_space<vmem>>
        %dma_start3A_81 = arith.constant 0 : i32
        %dma_start3A_82 = arith.constant 0 : i32
        %dma_start3A_83 = tpu.memref_slice %arg2[%dma_start3A_81, %dma_start3A_82] : memref<10008x128xf32, #tpu.memory_space<hbm>> -> memref<10008x128xf32, #tpu.memory_space<hbm>>
        tpu.enqueue_indirect_dma source(%dma_start3A_83 : memref<10008x128xf32, #tpu.memory_space<hbm>>) target(%arg9 : memref<128x128xf32, #tpu.memory_space<vmem>>) offsets(%dma_start3A_80 : memref<128xi32, #tpu.memory_space<vmem>>) semaphore(%arg11 : memref<!tpu.dma_semaphore, #tpu.memory_space<semaphore_mem>>)
      } else {
      }
      %dma_wait3A_70 = arith.constant 0 : i32
      %dma_wait3A_71 = arith.constant 0 : i32
      %dma_wait3A_72 = tpu.memref_slice %arg2[%dma_wait3A_70, %dma_wait3A_71] : memref<10008x128xf32, #tpu.memory_space<hbm>> -> memref<128x128xf32, #tpu.memory_space<hbm>>
      %dma_wait3A_73 = arith.constant 0 : i32
      %dma_wait3A_74 = arith.constant 0 : i32
      %dma_wait3A_75 = tpu.memref_slice %arg2[%dma_wait3A_73, %dma_wait3A_74] : memref<10008x128xf32, #tpu.memory_space<hbm>> -> memref<128x128xf32, #tpu.memory_space<hbm>>
      tpu.wait_dma2 semaphore(%arg12 : memref<!tpu.dma_semaphore, #tpu.memory_space<semaphore_mem>>) src(%dma_wait3A_75 : memref<128x128xf32, #tpu.memory_space<hbm>>) dst(%arg10 : memref<128x128xf32, #tpu.memory_space<vmem>>)
      "tpu.region"() ({
        %run_scoped3A = tpu.sem_alloc : memref<!tpu.dma_semaphore, #tpu.memory_space<semaphore_mem>>
        %dma_start3A_76 = arith.constant 0 : i32
        %dma_start3A_77 = tpu.memref_slice %arg8[%add3A_62, %dma_start3A_76] : memref<40x128xi32, #tpu.memory_space<vmem>> -> memref<1x128xi32, #tpu.memory_space<vmem>>
        %dma_start3A_78 = tpu.memref_squeeze %dma_start3A_77 : memref<1x128xi32, #tpu.memory_space<vmem>> -> memref<128xi32, #tpu.memory_space<vmem>>
        %dma_start3A_79 = arith.constant 0 : i32
        %dma_start3A_80 = arith.constant 0 : i32
        %dma_start3A_81 = tpu.memref_slice %arg13[%dma_start3A_79, %dma_start3A_80] : memref<10000x128xf32, #tpu.memory_space<vmem_shared>> -> memref<10000x128xf32, #tpu.memory_space<vmem_shared>>
        tpu.enqueue_indirect_dma source(%arg10 : memref<128x128xf32, #tpu.memory_space<vmem>>) target(%dma_start3A_81 : memref<10000x128xf32, #tpu.memory_space<vmem_shared>>) offsets(%dma_start3A_78 : memref<128xi32, #tpu.memory_space<vmem>>) semaphore(%run_scoped3A : memref<!tpu.dma_semaphore, #tpu.memory_space<semaphore_mem>>) {add = true}
        %dma_wait3A_82 = arith.constant 0 : i32
        %dma_wait3A_83 = tpu.memref_slice %arg8[%add3A_62, %dma_wait3A_82] : memref<40x128xi32, #tpu.memory_space<vmem>> -> memref<1x128xi32, #tpu.memory_space<vmem>>
        %dma_wait3A_84 = tpu.memref_squeeze %dma_wait3A_83 : memref<1x128xi32, #tpu.memory_space<vmem>> -> memref<128xi32, #tpu.memory_space<vmem>>
        %dma_wait3A_85 = arith.constant 0 : i32
        %dma_wait3A_86 = arith.constant 0 : i32
        %dma_wait3A_87 = tpu.memref_slice %arg13[%dma_wait3A_85, %dma_wait3A_86] : memref<10000x128xf32, #tpu.memory_space<vmem_shared>> -> memref<10000x128xf32, #tpu.memory_space<vmem_shared>>
        tpu.wait_indirect_dma semaphore(%run_scoped3A : memref<!tpu.dma_semaphore, #tpu.memory_space<semaphore_mem>>) src(%arg10 : memref<128x128xf32, #tpu.memory_space<vmem>>) dst(%dma_wait3A_87 : memref<10000x128xf32, #tpu.memory_space<vmem_shared>>)
        tpu.yield
      }) : () -> ()
    }
    %scan3A_19 = arith.constant 20 : i32
    %mul3A_20 = arith.constant 80 : i32
    %mul3A_21 = arith.muli %add3A, %mul3A_20 : i32
    %add3A_22 = arith.constant 40 : i32
    %add3A_23 = arith.addi %mul3A_21, %add3A_22 : i32
    "tpu.region"() ({
      %run_scoped3A = tpu.sem_alloc : memref<!tpu.dma_semaphore, #tpu.memory_space<semaphore_mem>>
      %dma_start3A_43 = arith.constant 0 : i32
      %dma_start3A_44 = tpu.memref_slice %arg3[%add3A_23, %dma_start3A_43] : memref<2560x128xi32, #tpu.memory_space<hbm>> -> memref<40x128xi32, #tpu.memory_space<hbm>>
      %dma_start3A_45 = arith.constant 0 : i32
      %dma_start3A_46 = tpu.memref_slice %arg3[%add3A_23, %dma_start3A_45] : memref<2560x128xi32, #tpu.memory_space<hbm>> -> memref<40x128xi32, #tpu.memory_space<hbm>>
      tpu.enqueue_dma source(%dma_start3A_46 : memref<40x128xi32, #tpu.memory_space<hbm>>) target(%arg7 : memref<40x128xi32, #tpu.memory_space<vmem>>) target_semaphore(%run_scoped3A : memref<!tpu.dma_semaphore, #tpu.memory_space<semaphore_mem>>)
      %dma_wait3A = arith.constant 0 : i32
      %dma_wait3A_47 = tpu.memref_slice %arg3[%add3A_23, %dma_wait3A] : memref<2560x128xi32, #tpu.memory_space<hbm>> -> memref<40x128xi32, #tpu.memory_space<hbm>>
      %dma_wait3A_48 = arith.constant 0 : i32
      %dma_wait3A_49 = tpu.memref_slice %arg3[%add3A_23, %dma_wait3A_48] : memref<2560x128xi32, #tpu.memory_space<hbm>> -> memref<40x128xi32, #tpu.memory_space<hbm>>
      tpu.wait_dma2 semaphore(%run_scoped3A : memref<!tpu.dma_semaphore, #tpu.memory_space<semaphore_mem>>) src(%dma_wait3A_49 : memref<40x128xi32, #tpu.memory_space<hbm>>) dst(%arg7 : memref<40x128xi32, #tpu.memory_space<vmem>>)
      tpu.yield
    }) : () -> ()
    "tpu.region"() ({
      %run_scoped3A = tpu.sem_alloc : memref<!tpu.dma_semaphore, #tpu.memory_space<semaphore_mem>>
      %dma_start3A_43 = arith.constant 0 : i32
      %dma_start3A_44 = tpu.memref_slice %arg4[%add3A_23, %dma_start3A_43] : memref<2560x128xi32, #tpu.memory_space<hbm>> -> memref<40x128xi32, #tpu.memory_space<hbm>>
      %dma_start3A_45 = arith.constant 0 : i32
      %dma_start3A_46 = tpu.memref_slice %arg4[%add3A_23, %dma_start3A_45] : memref<2560x128xi32, #tpu.memory_space<hbm>> -> memref<40x128xi32, #tpu.memory_space<hbm>>
      tpu.enqueue_dma source(%dma_start3A_46 : memref<40x128xi32, #tpu.memory_space<hbm>>) target(%arg8 : memref<40x128xi32, #tpu.memory_space<vmem>>) target_semaphore(%run_scoped3A : memref<!tpu.dma_semaphore, #tpu.memory_space<semaphore_mem>>)
      %dma_wait3A = arith.constant 0 : i32
      %dma_wait3A_47 = tpu.memref_slice %arg4[%add3A_23, %dma_wait3A] : memref<2560x128xi32, #tpu.memory_space<hbm>> -> memref<40x128xi32, #tpu.memory_space<hbm>>
      %dma_wait3A_48 = arith.constant 0 : i32
      %dma_wait3A_49 = tpu.memref_slice %arg4[%add3A_23, %dma_wait3A_48] : memref<2560x128xi32, #tpu.memory_space<hbm>> -> memref<40x128xi32, #tpu.memory_space<hbm>>
      tpu.wait_dma2 semaphore(%run_scoped3A : memref<!tpu.dma_semaphore, #tpu.memory_space<semaphore_mem>>) src(%dma_wait3A_49 : memref<40x128xi32, #tpu.memory_space<hbm>>) dst(%arg8 : memref<40x128xi32, #tpu.memory_space<vmem>>)
      tpu.yield
    }) : () -> ()
    %dma_start3A_24 = arith.constant 0 : i32
    %dma_start3A_25 = arith.constant 0 : i32
    %dma_start3A_26 = tpu.memref_slice %arg7[%dma_start3A_24, %dma_start3A_25] : memref<40x128xi32, #tpu.memory_space<vmem>> -> memref<1x128xi32, #tpu.memory_space<vmem>>
    %dma_start3A_27 = tpu.memref_squeeze %dma_start3A_26 : memref<1x128xi32, #tpu.memory_space<vmem>> -> memref<128xi32, #tpu.memory_space<vmem>>
    %dma_start3A_28 = arith.constant 0 : i32
    %dma_start3A_29 = arith.constant 0 : i32
    %dma_start3A_30 = tpu.memref_slice %arg2[%dma_start3A_28, %dma_start3A_29] : memref<10008x128xf32, #tpu.memory_space<hbm>> -> memref<10008x128xf32, #tpu.memory_space<hbm>>
    tpu.enqueue_indirect_dma source(%dma_start3A_30 : memref<10008x128xf32, #tpu.memory_space<hbm>>) target(%arg9 : memref<128x128xf32, #tpu.memory_space<vmem>>) offsets(%dma_start3A_27 : memref<128xi32, #tpu.memory_space<vmem>>) semaphore(%arg11 : memref<!tpu.dma_semaphore, #tpu.memory_space<semaphore_mem>>)
    %scan3A_31 = arith.constant 0 : i32
    %scan3A_32 = arith.constant 0 : i32
    %scan3A_33 = arith.constant 20 : i32
    %scan3A_34 = arith.addi %scan3A_32, %scan3A_33 : i32
    %scan3A_35 = arith.constant 1 : i32
    scf.for %scan3A_43 = %scan3A_32 to %scan3A_34 step %scan3A_35  : i32 {
      %mul3A_44 = arith.constant 2 : i32
      %mul3A_45 = arith.muli %mul3A_44, %scan3A_43 : i32
      %add3A_46 = arith.constant 0 : i32
      %add3A_47 = arith.addi %mul3A_45, %add3A_46 : i32
      %add3A_48 = arith.constant 1 : i32
      %add3A_49 = arith.addi %add3A_47, %add3A_48 : i32
      %lt3A = arith.constant 40 : i32
      %lt3A_50 = arith.cmpi slt, %add3A_49, %lt3A : i32
      %convert_element_type3A_51 = arith.extui %lt3A_50 : i1 to i32
      %cond3A_52 = arith.constant 0 : i32
      %cond3A_53 = arith.cmpi ne, %convert_element_type3A_51, %cond3A_52 : i32
      scf.if %cond3A_53 {
        %add3A_76 = arith.constant 1 : i32
        %add3A_77 = arith.addi %add3A_47, %add3A_76 : i32
        %dma_start3A_78 = arith.constant 0 : i32
        %dma_start3A_79 = tpu.memref_slice %arg7[%add3A_77, %dma_start3A_78] : memref<40x128xi32, #tpu.memory_space<vmem>> -> memref<1x128xi32, #tpu.memory_space<vmem>>
        %dma_start3A_80 = tpu.memref_squeeze %dma_start3A_79 : memref<1x128xi32, #tpu.memory_space<vmem>> -> memref<128xi32, #tpu.memory_space<vmem>>
        %dma_start3A_81 = arith.constant 0 : i32
        %dma_start3A_82 = arith.constant 0 : i32
        %dma_start3A_83 = tpu.memref_slice %arg2[%dma_start3A_81, %dma_start3A_82] : memref<10008x128xf32, #tpu.memory_space<hbm>> -> memref<10008x128xf32, #tpu.memory_space<hbm>>
        tpu.enqueue_indirect_dma source(%dma_start3A_83 : memref<10008x128xf32, #tpu.memory_space<hbm>>) target(%arg10 : memref<128x128xf32, #tpu.memory_space<vmem>>) offsets(%dma_start3A_80 : memref<128xi32, #tpu.memory_space<vmem>>) semaphore(%arg12 : memref<!tpu.dma_semaphore, #tpu.memory_space<semaphore_mem>>)
      } else {
      }
      %dma_wait3A = arith.constant 0 : i32
      %dma_wait3A_54 = arith.constant 0 : i32
      %dma_wait3A_55 = tpu.memref_slice %arg2[%dma_wait3A, %dma_wait3A_54] : memref<10008x128xf32, #tpu.memory_space<hbm>> -> memref<128x128xf32, #tpu.memory_space<hbm>>
      %dma_wait3A_56 = arith.constant 0 : i32
      %dma_wait3A_57 = arith.constant 0 : i32
      %dma_wait3A_58 = tpu.memref_slice %arg2[%dma_wait3A_56, %dma_wait3A_57] : memref<10008x128xf32, #tpu.memory_space<hbm>> -> memref<128x128xf32, #tpu.memory_space<hbm>>
      tpu.wait_dma2 semaphore(%arg11 : memref<!tpu.dma_semaphore, #tpu.memory_space<semaphore_mem>>) src(%dma_wait3A_58 : memref<128x128xf32, #tpu.memory_space<hbm>>) dst(%arg9 : memref<128x128xf32, #tpu.memory_space<vmem>>)
      "tpu.region"() ({
        %run_scoped3A = tpu.sem_alloc : memref<!tpu.dma_semaphore, #tpu.memory_space<semaphore_mem>>
        %dma_start3A_76 = arith.constant 0 : i32
        %dma_start3A_77 = tpu.memref_slice %arg8[%add3A_47, %dma_start3A_76] : memref<40x128xi32, #tpu.memory_space<vmem>> -> memref<1x128xi32, #tpu.memory_space<vmem>>
        %dma_start3A_78 = tpu.memref_squeeze %dma_start3A_77 : memref<1x128xi32, #tpu.memory_space<vmem>> -> memref<128xi32, #tpu.memory_space<vmem>>
        %dma_start3A_79 = arith.constant 0 : i32
        %dma_start3A_80 = arith.constant 0 : i32
        %dma_start3A_81 = tpu.memref_slice %arg13[%dma_start3A_79, %dma_start3A_80] : memref<10000x128xf32, #tpu.memory_space<vmem_shared>> -> memref<10000x128xf32, #tpu.memory_space<vmem_shared>>
        tpu.enqueue_indirect_dma source(%arg9 : memref<128x128xf32, #tpu.memory_space<vmem>>) target(%dma_start3A_81 : memref<10000x128xf32, #tpu.memory_space<vmem_shared>>) offsets(%dma_start3A_78 : memref<128xi32, #tpu.memory_space<vmem>>) semaphore(%run_scoped3A : memref<!tpu.dma_semaphore, #tpu.memory_space<semaphore_mem>>) {add = true}
        %dma_wait3A_82 = arith.constant 0 : i32
        %dma_wait3A_83 = tpu.memref_slice %arg8[%add3A_47, %dma_wait3A_82] : memref<40x128xi32, #tpu.memory_space<vmem>> -> memref<1x128xi32, #tpu.memory_space<vmem>>
        %dma_wait3A_84 = tpu.memref_squeeze %dma_wait3A_83 : memref<1x128xi32, #tpu.memory_space<vmem>> -> memref<128xi32, #tpu.memory_space<vmem>>
        %dma_wait3A_85 = arith.constant 0 : i32
        %dma_wait3A_86 = arith.constant 0 : i32
        %dma_wait3A_87 = tpu.memref_slice %arg13[%dma_wait3A_85, %dma_wait3A_86] : memref<10000x128xf32, #tpu.memory_space<vmem_shared>> -> memref<10000x128xf32, #tpu.memory_space<vmem_shared>>
        tpu.wait_indirect_dma semaphore(%run_scoped3A : memref<!tpu.dma_semaphore, #tpu.memory_space<semaphore_mem>>) src(%arg9 : memref<128x128xf32, #tpu.memory_space<vmem>>) dst(%dma_wait3A_87 : memref<10000x128xf32, #tpu.memory_space<vmem_shared>>)
        tpu.yield
      }) : () -> ()
      %mul3A_59 = arith.constant 2 : i32
      %mul3A_60 = arith.muli %mul3A_59, %scan3A_43 : i32
      %add3A_61 = arith.constant 1 : i32
      %add3A_62 = arith.addi %mul3A_60, %add3A_61 : i32
      %add3A_63 = arith.constant 1 : i32
      %add3A_64 = arith.addi %add3A_62, %add3A_63 : i32
      %lt3A_65 = arith.constant 40 : i32
      %lt3A_66 = arith.cmpi slt, %add3A_64, %lt3A_65 : i32
      %convert_element_type3A_67 = arith.extui %lt3A_66 : i1 to i32
      %cond3A_68 = arith.constant 0 : i32
      %cond3A_69 = arith.cmpi ne, %convert_element_type3A_67, %cond3A_68 : i32
      scf.if %cond3A_69 {
        %add3A_76 = arith.constant 1 : i32
        %add3A_77 = arith.addi %add3A_62, %add3A_76 : i32
        %dma_start3A_78 = arith.constant 0 : i32
        %dma_start3A_79 = tpu.memref_slice %arg7[%add3A_77, %dma_start3A_78] : memref<40x128xi32, #tpu.memory_space<vmem>> -> memref<1x128xi32, #tpu.memory_space<vmem>>
        %dma_start3A_80 = tpu.memref_squeeze %dma_start3A_79 : memref<1x128xi32, #tpu.memory_space<vmem>> -> memref<128xi32, #tpu.memory_space<vmem>>
        %dma_start3A_81 = arith.constant 0 : i32
        %dma_start3A_82 = arith.constant 0 : i32
        %dma_start3A_83 = tpu.memref_slice %arg2[%dma_start3A_81, %dma_start3A_82] : memref<10008x128xf32, #tpu.memory_space<hbm>> -> memref<10008x128xf32, #tpu.memory_space<hbm>>
        tpu.enqueue_indirect_dma source(%dma_start3A_83 : memref<10008x128xf32, #tpu.memory_space<hbm>>) target(%arg9 : memref<128x128xf32, #tpu.memory_space<vmem>>) offsets(%dma_start3A_80 : memref<128xi32, #tpu.memory_space<vmem>>) semaphore(%arg11 : memref<!tpu.dma_semaphore, #tpu.memory_space<semaphore_mem>>)
      } else {
      }
      %dma_wait3A_70 = arith.constant 0 : i32
      %dma_wait3A_71 = arith.constant 0 : i32
      %dma_wait3A_72 = tpu.memref_slice %arg2[%dma_wait3A_70, %dma_wait3A_71] : memref<10008x128xf32, #tpu.memory_space<hbm>> -> memref<128x128xf32, #tpu.memory_space<hbm>>
      %dma_wait3A_73 = arith.constant 0 : i32
      %dma_wait3A_74 = arith.constant 0 : i32
      %dma_wait3A_75 = tpu.memref_slice %arg2[%dma_wait3A_73, %dma_wait3A_74] : memref<10008x128xf32, #tpu.memory_space<hbm>> -> memref<128x128xf32, #tpu.memory_space<hbm>>
      tpu.wait_dma2 semaphore(%arg12 : memref<!tpu.dma_semaphore, #tpu.memory_space<semaphore_mem>>) src(%dma_wait3A_75 : memref<128x128xf32, #tpu.memory_space<hbm>>) dst(%arg10 : memref<128x128xf32, #tpu.memory_space<vmem>>)
      "tpu.region"() ({
        %run_scoped3A = tpu.sem_alloc : memref<!tpu.dma_semaphore, #tpu.memory_space<semaphore_mem>>
        %dma_start3A_76 = arith.constant 0 : i32
        %dma_start3A_77 = tpu.memref_slice %arg8[%add3A_62, %dma_start3A_76] : memref<40x128xi32, #tpu.memory_space<vmem>> -> memref<1x128xi32, #tpu.memory_space<vmem>>
        %dma_start3A_78 = tpu.memref_squeeze %dma_start3A_77 : memref<1x128xi32, #tpu.memory_space<vmem>> -> memref<128xi32, #tpu.memory_space<vmem>>
        %dma_start3A_79 = arith.constant 0 : i32
        %dma_start3A_80 = arith.constant 0 : i32
        %dma_start3A_81 = tpu.memref_slice %arg13[%dma_start3A_79, %dma_start3A_80] : memref<10000x128xf32, #tpu.memory_space<vmem_shared>> -> memref<10000x128xf32, #tpu.memory_space<vmem_shared>>
        tpu.enqueue_indirect_dma source(%arg10 : memref<128x128xf32, #tpu.memory_space<vmem>>) target(%dma_start3A_81 : memref<10000x128xf32, #tpu.memory_space<vmem_shared>>) offsets(%dma_start3A_78 : memref<128xi32, #tpu.memory_space<vmem>>) semaphore(%run_scoped3A : memref<!tpu.dma_semaphore, #tpu.memory_space<semaphore_mem>>) {add = true}
        %dma_wait3A_82 = arith.constant 0 : i32
        %dma_wait3A_83 = tpu.memref_slice %arg8[%add3A_62, %dma_wait3A_82] : memref<40x128xi32, #tpu.memory_space<vmem>> -> memref<1x128xi32, #tpu.memory_space<vmem>>
        %dma_wait3A_84 = tpu.memref_squeeze %dma_wait3A_83 : memref<1x128xi32, #tpu.memory_space<vmem>> -> memref<128xi32, #tpu.memory_space<vmem>>
        %dma_wait3A_85 = arith.constant 0 : i32
        %dma_wait3A_86 = arith.constant 0 : i32
        %dma_wait3A_87 = tpu.memref_slice %arg13[%dma_wait3A_85, %dma_wait3A_86] : memref<10000x128xf32, #tpu.memory_space<vmem_shared>> -> memref<10000x128xf32, #tpu.memory_space<vmem_shared>>
        tpu.wait_indirect_dma semaphore(%run_scoped3A : memref<!tpu.dma_semaphore, #tpu.memory_space<semaphore_mem>>) src(%arg10 : memref<128x128xf32, #tpu.memory_space<vmem>>) dst(%dma_wait3A_87 : memref<10000x128xf32, #tpu.memory_space<vmem_shared>>)
        tpu.yield
      }) : () -> ()
    }
    %scan3A_36 = arith.constant 20 : i32
    %barrier3A_37 = arith.constant 0 : index
    tpu.barrier barrier_id(%barrier3A_37)
    "tpu.region"() ({
      %run_scoped3A = tpu.sem_alloc : memref<!tpu.dma_semaphore, #tpu.memory_space<semaphore_mem>>
      %dma_start3A_43 = arith.constant 0 : i32
      %dma_start3A_44 = tpu.memref_slice %arg6[%arg0, %mul3A_2, %dma_start3A_43] : memref<2x10000x128xf32, #tpu.memory_space<hbm>> -> memref<1x624x128xf32, #tpu.memory_space<hbm>>
      %dma_start3A_45 = tpu.memref_squeeze %dma_start3A_44 : memref<1x624x128xf32, #tpu.memory_space<hbm>> -> memref<624x128xf32, #tpu.memory_space<hbm>>
      %dma_start3A_46 = arith.constant 0 : i32
      %dma_start3A_47 = tpu.memref_slice %arg13[%mul3A_2, %dma_start3A_46] : memref<10000x128xf32, #tpu.memory_space<vmem_shared>> -> memref<624x128xf32, #tpu.memory_space<vmem_shared>>
      tpu.enqueue_dma source(%dma_start3A_47 : memref<624x128xf32, #tpu.memory_space<vmem_shared>>) target(%dma_start3A_45 : memref<624x128xf32, #tpu.memory_space<hbm>>) target_semaphore(%run_scoped3A : memref<!tpu.dma_semaphore, #tpu.memory_space<semaphore_mem>>)
      %dma_wait3A = arith.constant 0 : i32
      %dma_wait3A_48 = tpu.memref_slice %arg6[%arg0, %mul3A_2, %dma_wait3A] : memref<2x10000x128xf32, #tpu.memory_space<hbm>> -> memref<1x624x128xf32, #tpu.memory_space<hbm>>
      %dma_wait3A_49 = tpu.memref_squeeze %dma_wait3A_48 : memref<1x624x128xf32, #tpu.memory_space<hbm>> -> memref<624x128xf32, #tpu.memory_space<hbm>>
      %dma_wait3A_50 = arith.constant 0 : i32
      %dma_wait3A_51 = tpu.memref_slice %arg13[%mul3A_2, %dma_wait3A_50] : memref<10000x128xf32, #tpu.memory_space<vmem_shared>> -> memref<624x128xf32, #tpu.memory_space<vmem_shared>>
      tpu.wait_dma2 semaphore(%run_scoped3A : memref<!tpu.dma_semaphore, #tpu.memory_space<semaphore_mem>>) src(%dma_wait3A_51 : memref<624x128xf32, #tpu.memory_space<vmem_shared>>) dst(%dma_wait3A_49 : memref<624x128xf32, #tpu.memory_space<hbm>>)
      tpu.yield
    }) : () -> ()
    %eq3A_38 = arith.constant 0 : i32
    %eq3A_39 = arith.cmpi eq, %arg1, %eq3A_38 : i32
    %convert_element_type3A_40 = arith.extui %eq3A_39 : i1 to i32
    %cond3A_41 = arith.constant 0 : i32
    %cond3A_42 = arith.cmpi ne, %convert_element_type3A_40, %cond3A_41 : i32
    scf.if %cond3A_42 {
      "tpu.region"() ({
        %run_scoped3A = tpu.sem_alloc : memref<!tpu.dma_semaphore, #tpu.memory_space<semaphore_mem>>
        %dma_start3A_43 = arith.constant 9984 : i32
        %dma_start3A_44 = arith.constant 0 : i32
        %dma_start3A_45 = tpu.memref_slice %arg6[%arg0, %dma_start3A_43, %dma_start3A_44] : memref<2x10000x128xf32, #tpu.memory_space<hbm>> -> memref<1x16x128xf32, #tpu.memory_space<hbm>>
        %dma_start3A_46 = tpu.memref_squeeze %dma_start3A_45 : memref<1x16x128xf32, #tpu.memory_space<hbm>> -> memref<16x128xf32, #tpu.memory_space<hbm>>
        %dma_start3A_47 = arith.constant 9984 : i32
        %dma_start3A_48 = arith.constant 0 : i32
        %dma_start3A_49 = tpu.memref_slice %arg13[%dma_start3A_47, %dma_start3A_48] : memref<10000x128xf32, #tpu.memory_space<vmem_shared>> -> memref<16x128xf32, #tpu.memory_space<vmem_shared>>
        tpu.enqueue_dma source(%dma_start3A_49 : memref<16x128xf32, #tpu.memory_space<vmem_shared>>) target(%dma_start3A_46 : memref<16x128xf32, #tpu.memory_space<hbm>>) target_semaphore(%run_scoped3A : memref<!tpu.dma_semaphore, #tpu.memory_space<semaphore_mem>>)
        %dma_wait3A = arith.constant 9984 : i32
        %dma_wait3A_50 = arith.constant 0 : i32
        %dma_wait3A_51 = tpu.memref_slice %arg6[%arg0, %dma_wait3A, %dma_wait3A_50] : memref<2x10000x128xf32, #tpu.memory_space<hbm>> -> memref<1x16x128xf32, #tpu.memory_space<hbm>>
        %dma_wait3A_52 = tpu.memref_squeeze %dma_wait3A_51 : memref<1x16x128xf32, #tpu.memory_space<hbm>> -> memref<16x128xf32, #tpu.memory_space<hbm>>
        %dma_wait3A_53 = arith.constant 9984 : i32
        %dma_wait3A_54 = arith.constant 0 : i32
        %dma_wait3A_55 = tpu.memref_slice %arg13[%dma_wait3A_53, %dma_wait3A_54] : memref<10000x128xf32, #tpu.memory_space<vmem_shared>> -> memref<16x128xf32, #tpu.memory_space<vmem_shared>>
        tpu.wait_dma2 semaphore(%run_scoped3A : memref<!tpu.dma_semaphore, #tpu.memory_space<semaphore_mem>>) src(%dma_wait3A_55 : memref<16x128xf32, #tpu.memory_space<vmem_shared>>) dst(%dma_wait3A_52 : memref<16x128xf32, #tpu.memory_space<hbm>>)
        tpu.yield
      }) : () -> ()
    } else {
    }
    return
  }
}

module attributes {stable_mosaic.version = 14 : i64} {
  func.func @_mm_body(%arg0: i32, %arg1: memref<1000x128xf32, #tpu.memory_space<vmem>>, %arg2: memref<128x128xf32, #tpu.memory_space<vmem>>, %arg3: memref<1000x1xf32, #tpu.memory_space<vmem>>, %arg4: memref<1000x128xf32, #tpu.memory_space<vmem>>) attributes {dimension_semantics = [#tpu.dimension_semantics<arbitrary>], iteration_bounds = array<i64: 10>, scalar_prefetch = 0 : i64, scratch_operands = 0 : i64, tpu.core_type = #tpu.core_type<tc>, window_params = [{transform_indices = @transform_0, window_bounds = array<i64: 1000, 128>}, {pipeline_mode = #tpu.pipeline_mode<synchronous>, transform_indices = @transform_1, window_bounds = array<i64: 128, 128>}, {transform_indices = @transform_2, window_bounds = array<i64: 1000, 1>}, {transform_indices = @transform_3, window_bounds = array<i64: 1000, 128>}]} {
    %get3A = arith.constant 0 : index
    %get3A_0 = arith.constant 0 : index
    %get3A_1 = vector.load %arg1[%get3A, %get3A_0] : memref<1000x128xf32, #tpu.memory_space<vmem>>, vector<1000x128xf32>
    %get3A_2 = arith.constant 0 : index
    %get3A_3 = arith.constant 0 : index
    %get3A_4 = vector.load %arg2[%get3A_2, %get3A_3] : memref<128x128xf32, #tpu.memory_space<vmem>>, vector<128x128xf32>
    %dot_general3A = arith.constant dense<0.000000e+00> : vector<1000x128xf32>
    %dot_general3A_5 = tpu.matmul %get3A_1, %get3A_4, %dot_general3A {dimension_numbers = #tpu.dot_dimension_numbers<[1], [0], [0], [1], [0, 0, 1, 1], [], []>, transpose_lhs_hint = false} : vector<1000x128xf32>, vector<128x128xf32>, vector<1000x128xf32> -> vector<1000x128xf32>
    %get3A_6 = arith.constant 0 : index
    %get3A_7 = arith.constant 0 : index
    %get3A_8 = vector.load %arg3[%get3A_6, %get3A_7] : memref<1000x1xf32, #tpu.memory_space<vmem>>, vector<1000x1xf32>
    %mul3A = vector.broadcast %get3A_8 : vector<1000x1xf32> to vector<1000x128xf32>
    %mul3A_9 = arith.mulf %dot_general3A_5, %mul3A : vector<1000x128xf32>
    %swap3A = arith.constant 0 : index
    %swap3A_10 = arith.constant 0 : index
    %swap3A_11 = vector.load %arg4[%swap3A, %swap3A_10] : memref<1000x128xf32, #tpu.memory_space<vmem>>, vector<1000x128xf32>
    tpu.vector_store %arg4[%swap3A, %swap3A_10], %mul3A_9 {strides = array<i32>} : memref<1000x128xf32, #tpu.memory_space<vmem>>, vector<1000x128xf32>,
    return
  }
  func.func @transform_0(%arg0: i32) -> (i32, i32) {
    %c0_i32 = arith.constant 0 : i32
    %c0_i32_0 = arith.constant 0 : i32
    return %arg0, %c0_i32 : i32, i32
  }
  func.func @transform_1(%arg0: i32) -> (i32, i32) {
    %c0_i32 = arith.constant 0 : i32
    %c0_i32_0 = arith.constant 0 : i32
    %c0_i32_1 = arith.constant 0 : i32
    return %c0_i32, %c0_i32_0 : i32, i32
  }
  func.func @transform_2(%arg0: i32) -> (i32, i32) {
    %c0_i32 = arith.constant 0 : i32
    %c0_i32_0 = arith.constant 0 : i32
    return %arg0, %c0_i32 : i32, i32
  }
  func.func @transform_3(%arg0: i32) -> (i32, i32) {
    %c0_i32 = arith.constant 0 : i32
    %c0_i32_0 = arith.constant 0 : i32
    return %arg0, %c0_i32 : i32, i32
  }
}

module attributes {stable_mosaic.version = 14 : i64} {
  func.func @_final_body(%arg0: i32, %arg1: memref<2x1000x128xf32, #tpu.memory_space<vmem>>, %arg2: memref<1000x1xf32, #tpu.memory_space<vmem>>, %arg3: memref<1000x128xf32, #tpu.memory_space<vmem>>) attributes {dimension_semantics = [#tpu.dimension_semantics<arbitrary>], iteration_bounds = array<i64: 10>, scalar_prefetch = 0 : i64, scratch_operands = 0 : i64, tpu.core_type = #tpu.core_type<tc>, window_params = [{transform_indices = @transform_0, window_bounds = array<i64: 2, 1000, 128>}, {transform_indices = @transform_1, window_bounds = array<i64: 1000, 1>}, {transform_indices = @transform_2, window_bounds = array<i64: 1000, 128>}]} {
    %get3A = arith.constant 0 : index
    %get3A_0 = arith.constant 0 : index
    %get3A_1 = arith.constant 0 : index
    %get3A_2 = vector.load %arg1[%get3A, %get3A_0, %get3A_1] : memref<2x1000x128xf32, #tpu.memory_space<vmem>>, vector<1x1000x128xf32>
    %get3A_3 = vector.shape_cast %get3A_2 : vector<1x1000x128xf32> to vector<1000x128xf32>
    %get3A_4 = arith.constant 1 : index
    %get3A_5 = arith.constant 0 : index
    %get3A_6 = arith.constant 0 : index
    %get3A_7 = vector.load %arg1[%get3A_4, %get3A_5, %get3A_6] : memref<2x1000x128xf32, #tpu.memory_space<vmem>>, vector<1x1000x128xf32>
    %get3A_8 = vector.shape_cast %get3A_7 : vector<1x1000x128xf32> to vector<1000x128xf32>
    %add3A = arith.addf %get3A_3, %get3A_8 : vector<1000x128xf32>
    %get3A_9 = arith.constant 0 : index
    %get3A_10 = arith.constant 0 : index
    %get3A_11 = vector.load %arg2[%get3A_9, %get3A_10] : memref<1000x1xf32, #tpu.memory_space<vmem>>, vector<1000x1xf32>
    %mul3A = vector.broadcast %get3A_11 : vector<1000x1xf32> to vector<1000x128xf32>
    %mul3A_12 = arith.mulf %add3A, %mul3A : vector<1000x128xf32>
    %max3A = arith.constant 0.000000e+00 : f32
    %max3A_13 = vector.broadcast %max3A : f32 to vector<1000x128xf32>
    %max3A_14 = arith.maximumf %mul3A_12, %max3A_13 : vector<1000x128xf32>
    %swap3A = arith.constant 0 : index
    %swap3A_15 = arith.constant 0 : index
    %swap3A_16 = vector.load %arg3[%swap3A, %swap3A_15] : memref<1000x128xf32, #tpu.memory_space<vmem>>, vector<1000x128xf32>
    tpu.vector_store %arg3[%swap3A, %swap3A_15], %max3A_14 {strides = array<i32>} : memref<1000x128xf32, #tpu.memory_space<vmem>>, vector<1000x128xf32>,
    return
  }
  func.func @transform_0(%arg0: i32) -> (i32, i32, i32) {
    %c0_i32 = arith.constant 0 : i32
    %c0_i32_0 = arith.constant 0 : i32
    %c0_i32_1 = arith.constant 0 : i32
    return %c0_i32, %arg0, %c0_i32_0 : i32, i32, i32
  }
  func.func @transform_1(%arg0: i32) -> (i32, i32) {
    %c0_i32 = arith.constant 0 : i32
    %c0_i32_0 = arith.constant 0 : i32
    return %arg0, %c0_i32 : i32, i32
  }
  func.func @transform_2(%arg0: i32) -> (i32, i32) {
    %c0_i32 = arith.constant 0 : i32
    %c0_i32_0 = arith.constant 0 : i32
    return %arg0, %c0_i32 : i32, i32
  }
}

</mosaic_0001>

<sc_bundles>
// kernel: kernel.5.cloned.1.call-start
scs
__scs_entry_jumppad:
0x0: {  	(pc) =	sbr.rel $0x88, $3  }
0x1: {  	(tag) =	ssettag $0x0;
	lr =	simm.s32 $0x1  }
0x2: {  	[smem:$0x3F9D] =	sst lr;
	_ =	strace $0xD0000000  }
0x3: {  	_ = 	snop  }
0x4: {  	_ = 	snop  }
0x5: {  	_ = 	snop  }
0x6: {  	_ = 	snop  }
0x7: {  	_ = 	snop  }
__scs_overlays_trampoline_lowered:
0x8: {  	[smem:$0x3FAC] =	sst s0  }
0x9: {  	[smem:$0x3FAD] =	sst s1  }
0xa: {  	[smem:$0x3FAE] =	sst s2  }
0xb: {  	[smem:$0x3FAF] =	sst s3  }
0xc: {  	[smem:$0x3FB0] =	sst s4  }
0xd: {  	[smem:$0x3FB1] =	sst s5  }
0xe: {  	[smem:$0x3FB2] =	sst s6  }
0xf: {  	[smem:$0x3FB3] =	sst s7  }
0x10: {  	[smem:$0x3FB4] =	sst s8  }
0x11: {  	[smem:$0x3FB5] =	sst s9;
	s0 =	simm.s32 @!p0 $0x0  }
0x12: {  	s1 =	sld [smem:$0x3F9B];
	s0 =	simm.s32 @p0 $0x1  }
0x13: {  	[smem:$0x3FB6] =	sst s0;
	s0 =	simm.s32 @!p1 $0x0  }
0x14: {  	s2 =	sld [smem:$0x3F9A];
	s0 =	simm.s32 @p1 $0x1  }
0x15: {  	[smem:$0x3FB7] =	sst s0;
	s0 =	simm.s32 @!p2 $0x0  }
0x16: {  	s3 =	sld [smem:$0x3FDB];
	s0 =	simm.s32 @p2 $0x1  }
0x17: {  	s4 =	simm.s32 $0x1BF5;
	[smem:$0x3FB9] =	sst s0  }
0x18: {  	s0 =	sld [smem:$0x3F9C];
	_ =	swait.ge [sflag:s4], $0x0  }
0x19: {  	s7 =	sld [smem:$0x3F9D]  }
0x1a: {  	s8 =	sadd.s32 $0xFFFFE003, lr  }
0x1b: {  	s9 =	sadd.s32 $0xFFFFFEF7, lr;
	s5 =	simm.s32 $0xFFFFFFFF;
	p2 =	slt.u32 s8, $0xFFFFF086  }
0x1c: {  	p1 =	slt.u32 s9, $0xF7A;
	s5 =	simm.s32 @!p2 $0x0  }
0x1d: {  	s5 =	simm.s32 @p1 $0x1;
	p0 =	seq.s32 s7, s2  }
0x1e: {  	s7 =	smul.u32 @!p0 $0xF7A, s2;
	p2 =	seq.s32 @!p0 s5, $0x0  }
0x1f: {  	s9 =	smul.u32 $0xF7A, s1;
	s8 =	simm.s32 @!p0 $0x1BF5;
	p2 =	por !p2, p0  }
0x20: {  	[sflag:s8] =	ssyncset.s32 @!p0 $0xFFFFF086;
	s6 =	sadd.s32 @!p0 s3, s7;
	s7 =	simm.s32 @!p0 $0x108  }
0x21: {  	s3 =	sadd.s32 s3, s9;
	s6 =	sadd.s32 @!p0 $0x88, s6;
	s7 =	simm.s32 @p2 $0x1082  }
0x22: {  	[simem:s7], [sflag:s8] =	dma.local @!p0 [hbm:s6], $0xF7A  }
0x23: {  	s9 =	sor.u32 $0xD0000000, s2;
	s6 =	simm.s32 $0x108;
	_ =	swait.ge @!p0 [sflag:s8], $0x0  }
0x24: {  	s3 =	sadd.s32 $0x88, s3;
	s6 =	simm.s32 @!p1 $0x1082;
	[sflag:s4] =	ssyncset.s32 $0xFFFFF086  }
0x25: {  	[simem:s6], [sflag:s4] =	dma.local [hbm:s3], $0xF7A  }
0x26: {  	[smem:$0x3F9D] =	sst s1;
	(tag) =	ssettag s2;
	_ =	strace s9  }
0x27: {  	s1 =	sld [smem:$0x3FAD]  }
0x28: {  	s2 =	sld [smem:$0x3FAE]  }
0x29: {  	s4 =	sld [smem:$0x3FB0]  }
0x2a: {  	p0 =	seq.s32 s5, $0x0;
	s5 =	sld [smem:$0x3FB1]  }
0x2b: {  	s6 =	sld [smem:$0x3FB2]  }
0x2c: {  	s7 =	sld [smem:$0x3FB3]  }
0x2d: {  	s3 =	simm.s32 $0x108;
	s8 =	sld [smem:$0x3FB4]  }
0x2e: {  	s3 =	simm.s32 @!p0 $0x1082;
	s9 =	sld [smem:$0x3FB5]  }
0x2f: {  	lr =	sadd.s32 s0, s3;
	s0 =	sld [smem:$0x3FAC]  }
0x30: {  	s3 =	sld [smem:$0x3FAF]  }
0x31: {  	[smem:$0x3FB8] =	sst s10  }
0x32: {  	s10 =	sld [smem:$0x3FB6];
	_ =	sdelay $0x3  }
0x33: {  	p0 =	seq.s32 s10, $0x1;
	s10 =	sld [smem:$0x3FB8];
	_ =	sdelay $0x3  }
0x34: {  	[smem:$0x3FB8] =	sst s10  }
0x35: {  	s10 =	sld [smem:$0x3FB7];
	_ =	sdelay $0x3  }
0x36: {  	p1 =	seq.s32 s10, $0x1;
	s10 =	sld [smem:$0x3FB8];
	_ =	sdelay $0x3  }
0x37: {  	[smem:$0x3FB8] =	sst s10  }
0x38: {  	s10 =	sld [smem:$0x3FB9]  }
0x39: {  	_ = 	snop;
	(pc) =	sbr.ind lr, $3  }
0x3a: {  	_ = 	snop  }
0x3b: {  	_ = 	snop  }
0x3c: {  	p2 =	seq.s32 s10, $0x1;
	s10 =	sld [smem:$0x3FB8]  }
0x3d: {  	_ =	shalt  }
0x3e: {  	_ =	shalt  }
0x3f: {  	_ =	shalt  }
0x40: {  	_ =	shalt  }
0x41: {  	_ =	shalt  }
0x42: {  	_ =	shalt  }
0x43: {  	_ =	shalt  }
0x44: {  	_ =	shalt  }
0x45: {  	_ =	shalt  }
0x46: {  	_ =	shalt  }
0x47: {  	_ =	shalt  }
0x48: {  	_ =	shalt  }
0x49: {  	_ =	shalt  }
0x4a: {  	_ =	shalt  }
0x4b: {  	_ =	shalt  }
0x4c: {  	_ =	shalt  }
0x4d: {  	_ =	shalt  }
0x4e: {  	_ =	shalt  }
0x4f: {  	_ =	shalt  }
0x50: {  	_ =	shalt  }
0x51: {  	_ =	shalt  }
0x52: {  	_ =	shalt  }
0x53: {  	_ =	shalt  }
0x54: {  	_ =	shalt  }
0x55: {  	_ =	shalt  }
0x56: {  	_ =	shalt  }
0x57: {  	_ =	shalt  }
0x58: {  	_ =	shalt  }
0x59: {  	_ =	shalt  }
0x5a: {  	_ =	shalt  }
0x5b: {  	_ =	shalt  }
0x5c: {  	_ =	shalt  }
0x5d: {  	_ =	shalt  }
0x5e: {  	_ =	shalt  }
0x5f: {  	_ =	shalt  }
0x60: {  	_ =	shalt  }
0x61: {  	_ =	shalt  }
0x62: {  	_ =	shalt  }
0x63: {  	_ =	shalt  }
0x64: {  	_ =	shalt  }
0x65: {  	_ =	shalt  }
0x66: {  	_ =	shalt  }
0x67: {  	_ =	shalt  }
0x68: {  	_ =	shalt  }
0x69: {  	_ =	shalt  }
0x6a: {  	_ =	shalt  }
0x6b: {  	_ =	shalt  }
0x6c: {  	_ =	shalt  }
0x6d: {  	_ =	shalt  }
0x6e: {  	_ =	shalt  }
0x6f: {  	_ =	shalt  }
0x70: {  	_ =	shalt  }
0x71: {  	_ =	shalt  }
0x72: {  	_ =	shalt  }
0x73: {  	_ =	shalt  }
0x74: {  	_ =	shalt  }
0x75: {  	_ =	shalt  }
0x76: {  	_ =	shalt  }
0x77: {  	_ =	shalt  }
0x78: {  	_ =	shalt  }
0x79: {  	_ =	shalt  }
0x7a: {  	_ =	shalt  }
0x7b: {  	_ =	shalt  }
0x7c: {  	_ =	shalt  }
0x7d: {  	_ =	shalt  }
0x7e: {  	_ =	shalt  }
0x7f: {  	_ =	shalt  }
0x80: {  	_ =	shalt  }
0x81: {  	_ =	shalt  }
0x82: {  	_ =	shalt  }
0x83: {  	_ =	shalt  }
0x84: {  	_ =	shalt  }
0x85: {  	_ =	shalt  }
0x86: {  	_ =	shalt  }
0x87: {  	_ =	shalt  }
.Lfunc_end0:
.L_simem_size_0:
called_computation_lowered:
.L_overlay_start_0:
0x88: {  	s2 =	sld [smem:$0x3FD9]  }
0x89: {  	s3 =	sld [smem:$0x3FFE];
	_ =	sdelay $0x1  }
0x8a: {  	s1 =	srdreg.scid  }
0x8b: {  	s0 =	sand.u32 $0x1, s1  }
0x8c: {  	s17 =	sshll.u32 s0, $0xA;
	s2 =	sadd.s32 s3, s2  }
0x8d: {  	s2 =	sadd.s32 s2, s17  }
0x8e: {  	[smem:$0x3FC4] =	sst s2  }
0x8f: {  	_ = 	snop  }
0x90: {  	s2 =	sld [smem:$0x3FD0];
	(tm) =	ssettm $0x1  }
0x91: {  	s18 =	sld [smem:$0x3FFB];
	_ =	sdelay $0x3  }
0x92: {  	_ =	strace s18  }
0x93: {  	s3 =	sld [smem:$0x3FFC];
	_ =	sdelay $0x3  }
0x94: {  	_ =	strace s3  }
0x95: {  	s3 =	sld [smem:$0x3FFD];
	_ =	sdelay $0x3  }
0x96: {  	_ =	strace s3  }
0x97: {  	_ =	strace $0x8FFFFFFF  }
0x98: {  	s19 =	sld [smem:$0x3FDB];
	_ =	sdelay $0x1  }
0x99: {  	s4 =	simm.s32 $_scs_section_size  }
0x9a: {  	s5 =	simm.s32 $_size__tile_overlayer_lowered;
	s6 =	simm.s32 $_tile_overlayer_lowered  }
0x9b: {  	s22 =	simm.s32 $0x1BFF;
	s21 =	sshll.u32 s6, $0x1;
	s3 =	sadd.s32 s4, s19  }
0x9c: {  	s7 =	simm.s32 $0x0;
	s20 =	sshll.u32 s5, $0x1;
	s5 =	sadd.s32 s21, s3  }
0x9d: {  	[timem:s7], [sflag:s22] =	dma.local [hbm:s5], s20  }
0x9e: {  	_ =	swait.ge [sflag:s22], s20  }
0x9f: {  	s4 =	ssub.s32 $0x0, s20;
	[sflag:s22] =	ssyncset.done $0x0  }
0xa0: {  	[sflag:s22] =	ssyncadd.s32 s4;
	_ =	sdelay $0x1  }
0xa1: {  	s23 =	simm.s32 $0x1B8B  }
0xa2: {  	_ =	swait.ge [sflag:s23], $0x1  }
0xa3: {  	[sflag:s23] =	ssyncset.done $0x0  }
0xa4: {  	s25 =	simm.s32 $0x1B8E;
	s24 =	sld [smem:$0x3FFE];
	[sflag:s23] =	ssyncadd.s32 $0xFFFFFFFF  }
0xa5: {  	s26 =	simm.s32 $execute0_lowered;
	[smem:$0x3FD2] =	sst s25  }
0xa6: {  	s5 =	sshll.u32 s26, $0x1;
	_ =	strace $0x80000046;
	[dreg:$0x1] =	wrdreg $0xFFFFFFFF  }
0xa7: {  	s28 =	simm.s32 $_size_execute0_lowered;
	s3 =	sadd.s32 s3, s5;
	[dreg:$0x0] =	wrdreg $0x0  }
0xa8: {  	s5 =	sshll.u32 s28, $0x1;
	[dreg:$0x2] =	wrdreg s3  }
0xa9: {  	[dreg:$0x3] =	wrdreg s5  }
0xaa: {  	[dreg:$0x4] =	wrdreg $0xC0  }
0xab: {  	_ =	task [dreg:s7], $0x5FFFF  }
0xac: {  	[dreg:$0x1] =	wrdreg $0xFFFFFFFF  }
0xad: {  	[dreg:$0x0] =	wrdreg $0x60  }
0xae: {  	[dreg:$0x2] =	wrdreg s24  }
0xaf: {  	[dreg:$0x3] =	wrdreg s2  }
0xb0: {  	[dreg:$0x4] =	wrdreg $0xA8000  }
0xb1: {  	[dreg:$0x5] =	wrdreg $0x9  }
0xb2: {  	_ =	task.clear_ibuf [dreg:s7], $0x6FFFF;
	_ =	strace $0x90000046  }
0xb3: {  	s29 =	simm.s32 $0x9;
	_ =	strace $0x80000048  }
0xb4: {  	_ =	swait.ge [sflag:s29], $0x1  }
0xb5: {  	[sflag:s29] =	ssyncadd.s32 $0xFFFFFFFF  }
0xb6: {  	_ =	strace $0x90000048  }
0xb7: {  	_ =	sfence  }
0xb8: {  	s30 =	sld [smem:$0x0];
	_ =	sdelay $0x2  }
0xb9: {  	s31 =	sshll.u32 s1, $0xD;
	s1 =	sshrl.u32 s1, $0x2  }
0xba: {  	s3 =	sand.u32 $0x4000, s31;
	s1 =	sadd.s32 s1, s30  }
0xbb: {  	s0 =	sor.u32 s3, s0;
	s1 =	sshll.u32 s1, $0x11  }
0xbc: {  	s0 =	sor.u32 s1, s0  }
0xbd: {  	s0 =	sadd.s32 $0x8F2B, s0  }
0xbe: {  	[sflag:s0] =	ssyncadd.remote.s32 $0x1  }
0xbf: {  	_ =	sfence.sel $0xFFFF  }
0xc0: {  	[dreg:$0x0] =	wrdreg $0xFFFFFFFF;
	(pc) =	sbr.abs _section_cstart, $3  }
0xc1: {  	[dreg:$0x1] =	wrdreg $0xFFFFFFFF  }
0xc2: {  	_ =	task.clear_ibuf [dreg:s7], $0x2FFFF;
	_ =	strace $0x9FFFFFFF  }
0xc3: {  	(tm) =	ssettm $0x7FFFFFFF  }
tec
execute0_lowered:
.L_overlay_start_1:
0x0: {  	(tag) =	ssettag $0x1  }
0x1: {  	s4 =	rddreg [dreg:$0x0]  }
0x2: {  	s7 =	rddreg [dreg:$0x1]  }
0x3: {  	s1 =	rddreg [dreg:$0x2];
	s2 =	simm.s32 $0x0  }
0x4: {  	s5 =	srdreg.scid;
	s15 =	stileid.u32;
	s19 =	simm.s32 $0x2800  }
0x5: {  	s20 =	simm.s32 $0x6800;
	s21 =	simm.s32 $0x1;
	s22 =	simm.s32 $0x2  }
0x6: {  	s23 =	simm.s32 $0x1380;
	s24 =	simm.s32 $0x2700;
	[smem:$0x7FF] =	sst s2  }
0x7: {  	s3 =	sadd.s32 $0xA00, s4;
	s10 =	sadd.s32 $0x27C00, s4;
	s11 =	sadd.s32 $0x31C00, s4  }
0x8: {  	s8 =	sand.u32 $0x1, s5;
	s13 =	sadd.s32 $0x3BC00, s4;
	s26 =	smul.u32 $0x4E000, s15  }
0x9: {  	s9 =	sshll.u32 s15, $0x1;
	s12 =	smul.u32 $0x13800, s15;
	s31 =	sshll.u32 s15, $0x6  }
0xa: {  	p0 =	sne.s32 s15, $0x0;
	_ =	strace $0x80000047;
	s25 =	ssub.s32 $0x2, s8  }
0xb: {  	s28 =	sor.u32 s8, s9;
	s5 =	sor.u32 $0x1C03, s31;
	s18 =	smul.u32 $0x138800, s8  }
0xc: {  	s6 =	sshrl.u32 s25, $0x1;
	s29 =	sshrl.u32 s26, $0x2;
	s9 =	smul.u32 $0x500, s28  }
0xd: {  	s30 =	sshrl.u32 s12, $0x3;
	s17 =	smul.u32 $0x2800, s28;
	s26 =	simm.s32 $0x0  }
0xe: {  	s14 =	ssub.s32 s25, s6;
	s16 =	sadd.s32 s29, s1;
	s0 =	sadd.s32 s7, s30  }
0xf: {  	s6 =	sadd.s32 $0x138000, s1;
	s7 =	sadd.s32 $0x27000, s7;
	s12 =	sadd.s32 s12, s18  }
0x10: {  	s18 =	sshrl.u32 s18, $0x3;
	s25 =	simm.s32 $0x2780;
	[dreg:$0x4] =	wrdreg s0  }
0x11: {  	s8 =	sadd.s32 s10, s9;
	s17 =	sshrl.u32 s17, $0x3;
	s9 =	sadd.s32 s11, s9  }
0x12: {  	s12 =	sshrl.u32 s12, $0x3;
	s14 =	smax.u32 s14, $0x1;
	s15 =	sshrl.u32 s16, $0x3  }
0x13: {  	s16 =	simm.s32 $0x3;
	s17 =	sadd.s32 $0x280, s17;
	s12 =	sadd.s32 s13, s12  }
0x14: {  	s13 =	sadd.s32 s13, s18;
	s18 =	simm.s32 $0x80;
	s10 =	sadd.s32 s10, s17  }
0x15: {  	s11 =	sadd.s32 s11, s17;
	s13 =	sadd.s32 $0x27000, s13;
	s17 =	simm.s32 $0x1400  }
.LBB2_1:
0x16: {  	s0 =	rddreg [dreg:$0x4]  }
0x17: {  	[spmem:s15], [sflag:s5] =	dma.local [hbm:s0], $0x2700  }
0x18: {  	_ =	swait.ge [sflag:s16], $0x2700  }
0x19: {  	[sflag:s16] =	ssyncset.done $0x0  }
0x1a: {  	s28 =	sshrl.u32 @!p0 s6, $0x3;
	s29 =	simm.s32 @!p0 $0x3;
	[sflag:s16] =	ssyncadd.s32 $0xFFFFD900  }
0x1b: {  	[spmem:s28], [sflag:s5] =	dma.local @!p0 [hbm:s7], $0x100  }
0x1c: {  	_ =	swait.ge @!p0 [sflag:s29], $0x100  }
0x1d: {  	[sflag:s29] =	ssyncset.done @!p0 $0x0  }
0x1e: {  	[sflag:s29] =	ssyncadd.s32 @!p0 $0xFFFFFF00  }
0x1f: {  	[bflag:$0x0] =	sbarrier.arrive $0xFFFF  }
0x20: {  	[tilespmem:s2], [sflag:$0x3] =	stream.linear.gather [hbm4b:s8+s2], $0x1400, $0x38;
	[tilespmem:$0x1E080] =	vst v63  }
0x21: {  	_ =	swait.ge [sflag:s16], $0x1400  }
0x22: {  	[sflag:s16] =	ssyncset.done $0x0  }
0x23: {  	[sflag:s16] =	ssyncadd.s32 $0xFFFFEC00  }
0x24: {  	[tilespmem:s17], [sflag:$0x3] =	stream.linear.gather [hbm4b:s9+s2], $0x1400, $0x38;
	[tilespmem:$0x1E080] =	vst v63  }
0x25: {  	_ =	swait.ge [sflag:s16], $0x1400  }
0x26: {  	[sflag:s16] =	ssyncset.done $0x0  }
0x27: {  	[sflag:s16] =	ssyncadd.s32 $0xFFFFEC00  }
0x28: {  	[tilespmem:s19], [sflag:$0x1] =	stream.indirect.gather [hbm4b:s3+s18], $0x80, s2, s18, $0xb8;
	[tilespmem:$0x1E080] =	vst v63  }
0x29: {  	s29 =	simm.s32 $0x80  }
0x2a: {  	[tilespmem:s20], [sflag:$0x2] =	stream.indirect.gather [hbm4b:s3+s18], $0x80, s29, s18, $0xb8;
	[tilespmem:$0x1E080] =	vst v63  }
0x2b: {  	_ =	swait.ge [sflag:s21], $0x4000  }
0x2c: {  	[sflag:s21] =	ssyncset.done $0x0  }
0x2d: {  	s29 =	simm.s32 $0x1400;
	[sflag:s21] =	ssyncadd.s32 $0xFFFFC000  }
0x2e: {  	[spmem:s1] =	stream.indirect.scatter.add.f32 [tilespmem:s19], [sflag:$0x3], $0x80, s29, s18, $0xb8;
	[tilespmem:$0x1E080] =	vst v63  }
0x2f: {  	_ =	swait.ge [sflag:s16], $0x4000  }
0x30: {  	[sflag:s16] =	ssyncset.done $0x0  }
0x31: {  	s29 =	simm.s32 $0x100;
	[sflag:s16] =	ssyncadd.s32 $0xFFFFC000  }
0x32: {  	[tilespmem:s19], [sflag:$0x1] =	stream.indirect.gather [hbm4b:s3+s18], $0x80, s29, s18, $0xb8;
	[tilespmem:$0x1E080] =	vst v63  }
0x33: {  	_ =	swait.ge [sflag:s22], $0x4000  }
0x34: {  	[sflag:s22] =	ssyncset.done $0x0  }
0x35: {  	s29 =	simm.s32 $0x1480;
	[sflag:s22] =	ssyncadd.s32 $0xFFFFC000  }
0x36: {  	[spmem:s1] =	stream.indirect.scatter.add.f32 [tilespmem:s20], [sflag:$0x3], $0x80, s29, s18, $0xb8;
	[tilespmem:$0x1E080] =	vst v63  }
0x37: {  	_ =	swait.ge [sflag:s16], $0x4000  }
0x38: {  	s30 =	simm.s32 $0x800;
	s29 =	simm.s32 $0x100;
	[sflag:s16] =	ssyncset.done $0x0  }
.LBB2_2:
0x39: {  	s31 =	sadd.s32 $0x80, s29  }
0x3a: {  	[sflag:s16] =	ssyncadd.s32 $0xFFFFC000;
	s0 =	smov.u32 s30;
	s4 =	sadd.s32 $0x400, s30  }
0x3b: {  	[tilespmem:s20], [sflag:$0x2] =	stream.indirect.gather [hbm4b:s3+s18], $0x80, s31, s18, $0xb8;
	[tilespmem:$0x1E080] =	vst v63  }
0x3c: {  	p1 =	sne.s32 s30, $0x4800;
	_ =	swait.ge [sflag:s21], $0x4000  }
0x3d: {  	[sflag:s21] =	ssyncset.done $0x0  }
0x3e: {  	s30 =	sadd.s32 $0x1400, s29;
	[sflag:s21] =	ssyncadd.s32 $0xFFFFC000  }
0x3f: {  	[spmem:s1] =	stream.indirect.scatter.add.f32 [tilespmem:s19], [sflag:$0x3], $0x80, s30, s18, $0xb8;
	[tilespmem:$0x1E080] =	vst v63  }
0x40: {  	_ =	swait.ge [sflag:s16], $0x4000  }
0x41: {  	[sflag:s16] =	ssyncset.done $0x0  }
0x42: {  	s30 =	sadd.s32 $0x100, s29;
	[sflag:s16] =	ssyncadd.s32 $0xFFFFC000  }
0x43: {  	[tilespmem:s19], [sflag:$0x1] =	stream.indirect.gather [hbm4b:s3+s18], $0x80, s30, s18, $0xb8;
	[tilespmem:$0x1E080] =	vst v63  }
0x44: {  	_ =	swait.ge [sflag:s22], $0x4000  }
.Ltmp0:
0x45: {  	[sflag:s22] =	ssyncset.done $0x0;
	(pc) =	sbr.rel @p1 .LBB2_2-.Ltmp0, $4  }
0x46: {  	s29 =	sadd.s32 $0x1480, s29;
	[sflag:s22] =	ssyncadd.s32 $0xFFFFC000  }
0x47: {  	[spmem:s1] =	stream.indirect.scatter.add.f32 [tilespmem:s20], [sflag:$0x3], $0x80, s29, s18, $0xb8;
	[tilespmem:$0x1E080] =	vst v63  }
0x48: {  	_ =	swait.ge [sflag:s16], $0x4000  }
0x49: {  	s30 =	smov.u32 s4;
	s29 =	sshra.s32 s0, $0x2;
	[sflag:s16] =	ssyncset.done $0x0  }
0x4a: {  	s0 =	sadd.s32 $0x80, s29;
	[sflag:s16] =	ssyncadd.s32 $0xFFFFC000  }
0x4b: {  	[tilespmem:s20], [sflag:$0x2] =	stream.indirect.gather [hbm4b:s3+s18], $0x80, s0, s18, $0xb8;
	[tilespmem:$0x1E080] =	vst v63  }
0x4c: {  	_ =	swait.ge [sflag:s21], $0x4000  }
0x4d: {  	[sflag:s21] =	ssyncset.done $0x0  }
0x4e: {  	s4 =	sadd.s32 $0x1400, s29;
	[sflag:s21] =	ssyncadd.s32 $0xFFFFC000  }
0x4f: {  	[spmem:s1] =	stream.indirect.scatter.add.f32 [tilespmem:s19], [sflag:$0x3], $0x80, s4, s18, $0xb8;
	[tilespmem:$0x1E080] =	vst v63  }
0x50: {  	_ =	swait.ge [sflag:s16], $0x4000  }
0x51: {  	[sflag:s16] =	ssyncset.done $0x0  }
0x52: {  	s31 =	sadd.s32 $0x100, s29;
	[sflag:s16] =	ssyncadd.s32 $0xFFFFC000  }
0x53: {  	[tilespmem:s19], [sflag:$0x1] =	stream.indirect.gather [hbm4b:s3+s18], $0x80, s31, s18, $0xb8;
	[tilespmem:$0x1E080] =	vst v63  }
0x54: {  	_ =	swait.ge [sflag:s22], $0x4000  }
0x55: {  	[sflag:s22] =	ssyncset.done $0x0  }
0x56: {  	s4 =	sadd.s32 $0x1480, s29;
	[sflag:s22] =	ssyncadd.s32 $0xFFFFC000  }
0x57: {  	[spmem:s1] =	stream.indirect.scatter.add.f32 [tilespmem:s20], [sflag:$0x3], $0x80, s4, s18, $0xb8;
	[tilespmem:$0x1E080] =	vst v63  }
0x58: {  	_ =	swait.ge [sflag:s16], $0x4000  }
0x59: {  	[sflag:s16] =	ssyncset.done $0x0  }
0x5a: {  	[sflag:s16] =	ssyncadd.s32 $0xFFFFC000  }
0x5b: {  	[tilespmem:s20], [sflag:$0x2] =	stream.indirect.gather [hbm4b:s3+s18], $0x80, s23, s18, $0xb8;
	[tilespmem:$0x1E080] =	vst v63  }
0x5c: {  	_ =	swait.ge [sflag:s21], $0x4000  }
0x5d: {  	[sflag:s21] =	ssyncset.done $0x0  }
0x5e: {  	[sflag:s21] =	ssyncadd.s32 $0xFFFFC000  }
0x5f: {  	[spmem:s1] =	stream.indirect.scatter.add.f32 [tilespmem:s19], [sflag:$0x3], $0x80, s24, s18, $0xb8;
	[tilespmem:$0x1E080] =	vst v63  }
0x60: {  	_ =	swait.ge [sflag:s16], $0x4000  }
0x61: {  	[sflag:s16] =	ssyncset.done $0x0  }
0x62: {  	[sflag:s16] =	ssyncadd.s32 $0xFFFFC000  }
0x63: {  	_ =	swait.ge [sflag:s22], $0x4000  }
0x64: {  	[sflag:s22] =	ssyncset.done $0x0  }
0x65: {  	[sflag:s22] =	ssyncadd.s32 $0xFFFFC000  }
0x66: {  	[spmem:s1] =	stream.indirect.scatter.add.f32 [tilespmem:s20], [sflag:$0x3], $0x80, s25, s18, $0xb8;
	[tilespmem:$0x1E080] =	vst v63  }
0x67: {  	_ =	swait.ge [sflag:s16], $0x4000  }
0x68: {  	[sflag:s16] =	ssyncset.done $0x0  }
0x69: {  	s31 =	simm.s32 $0x0;
	[sflag:s16] =	ssyncadd.s32 $0xFFFFC000  }
0x6a: {  	[tilespmem:s31], [sflag:$0x3] =	stream.linear.gather [hbm4b:s10+s31], $0x1400, $0x38;
	[tilespmem:$0x1E080] =	vst v63  }
0x6b: {  	_ =	swait.ge [sflag:s16], $0x1400  }
0x6c: {  	[sflag:s16] =	ssyncset.done $0x0  }
0x6d: {  	[sflag:s16] =	ssyncadd.s32 $0xFFFFEC00  }
0x6e: {  	[tilespmem:s17], [sflag:$0x3] =	stream.linear.gather [hbm4b:s11+s31], $0x1400, $0x38;
	[tilespmem:$0x1E080] =	vst v63  }
0x6f: {  	_ =	swait.ge [sflag:s16], $0x1400  }
0x70: {  	[sflag:s16] =	ssyncset.done $0x0  }
0x71: {  	[sflag:s16] =	ssyncadd.s32 $0xFFFFEC00  }
0x72: {  	[tilespmem:s19], [sflag:$0x1] =	stream.indirect.gather [hbm4b:s3+s18], $0x80, s31, s18, $0xb8;
	[tilespmem:$0x1E080] =	vst v63  }
0x73: {  	s4 =	simm.s32 $0x80  }
0x74: {  	[tilespmem:s20], [sflag:$0x2] =	stream.indirect.gather [hbm4b:s3+s18], $0x80, s4, s18, $0xb8;
	[tilespmem:$0x1E080] =	vst v63  }
0x75: {  	_ =	swait.ge [sflag:s21], $0x4000  }
0x76: {  	[sflag:s21] =	ssyncset.done $0x0  }
0x77: {  	s31 =	simm.s32 $0x1400;
	[sflag:s21] =	ssyncadd.s32 $0xFFFFC000  }
0x78: {  	[spmem:s1] =	stream.indirect.scatter.add.f32 [tilespmem:s19], [sflag:$0x3], $0x80, s31, s18, $0xb8;
	[tilespmem:$0x1E080] =	vst v63  }
0x79: {  	_ =	swait.ge [sflag:s16], $0x4000  }
0x7a: {  	[sflag:s16] =	ssyncset.done $0x0  }
0x7b: {  	s4 =	simm.s32 $0x100;
	[sflag:s16] =	ssyncadd.s32 $0xFFFFC000  }
0x7c: {  	[tilespmem:s19], [sflag:$0x1] =	stream.indirect.gather [hbm4b:s3+s18], $0x80, s4, s18, $0xb8;
	[tilespmem:$0x1E080] =	vst v63  }
0x7d: {  	_ =	swait.ge [sflag:s22], $0x4000  }
0x7e: {  	[sflag:s22] =	ssyncset.done $0x0  }
0x7f: {  	s31 =	simm.s32 $0x1480;
	[sflag:s22] =	ssyncadd.s32 $0xFFFFC000  }
0x80: {  	[spmem:s1] =	stream.indirect.scatter.add.f32 [tilespmem:s20], [sflag:$0x3], $0x80, s31, s18, $0xb8;
	[tilespmem:$0x1E080] =	vst v63  }
0x81: {  	_ =	swait.ge [sflag:s16], $0x4000  }
0x82: {  	s30 =	simm.s32 $0x800;
	s29 =	simm.s32 $0x100;
	[sflag:s16] =	ssyncset.done $0x0  }
.LBB2_4:
0x83: {  	s0 =	sadd.s32 $0x80, s29  }
0x84: {  	[sflag:s16] =	ssyncadd.s32 $0xFFFFC000;
	s4 =	smov.u32 s30;
	s31 =	sadd.s32 $0x400, s30  }
0x85: {  	[tilespmem:s20], [sflag:$0x2] =	stream.indirect.gather [hbm4b:s3+s18], $0x80, s0, s18, $0xb8;
	[tilespmem:$0x1E080] =	vst v63  }
0x86: {  	p1 =	sne.s32 s30, $0x4800;
	_ =	swait.ge [sflag:s21], $0x4000  }
0x87: {  	[sflag:s21] =	ssyncset.done $0x0  }
0x88: {  	s0 =	sadd.s32 $0x1400, s29;
	[sflag:s21] =	ssyncadd.s32 $0xFFFFC000  }
0x89: {  	[spmem:s1] =	stream.indirect.scatter.add.f32 [tilespmem:s19], [sflag:$0x3], $0x80, s0, s18, $0xb8;
	[tilespmem:$0x1E080] =	vst v63  }
0x8a: {  	_ =	swait.ge [sflag:s16], $0x4000  }
0x8b: {  	[sflag:s16] =	ssyncset.done $0x0  }
0x8c: {  	s0 =	sadd.s32 $0x100, s29;
	[sflag:s16] =	ssyncadd.s32 $0xFFFFC000  }
0x8d: {  	[tilespmem:s19], [sflag:$0x1] =	stream.indirect.gather [hbm4b:s3+s18], $0x80, s0, s18, $0xb8;
	[tilespmem:$0x1E080] =	vst v63  }
0x8e: {  	_ =	swait.ge [sflag:s22], $0x4000  }
.Ltmp1:
0x8f: {  	[sflag:s22] =	ssyncset.done $0x0;
	(pc) =	sbr.rel @p1 .LBB2_4-.Ltmp1, $4  }
0x90: {  	s0 =	sadd.s32 $0x1480, s29;
	[sflag:s22] =	ssyncadd.s32 $0xFFFFC000  }
0x91: {  	[spmem:s1] =	stream.indirect.scatter.add.f32 [tilespmem:s20], [sflag:$0x3], $0x80, s0, s18, $0xb8;
	[tilespmem:$0x1E080] =	vst v63  }
0x92: {  	_ =	swait.ge [sflag:s16], $0x4000  }
0x93: {  	s30 =	smov.u32 s31;
	s29 =	sshra.s32 s4, $0x2;
	[sflag:s16] =	ssyncset.done $0x0  }
0x94: {  	s0 =	sadd.s32 $0x80, s29;
	[sflag:s16] =	ssyncadd.s32 $0xFFFFC000  }
0x95: {  	[tilespmem:s20], [sflag:$0x2] =	stream.indirect.gather [hbm4b:s3+s18], $0x80, s0, s18, $0xb8;
	[tilespmem:$0x1E080] =	vst v63  }
0x96: {  	_ =	swait.ge [sflag:s21], $0x4000  }
0x97: {  	[sflag:s21] =	ssyncset.done $0x0  }
0x98: {  	s4 =	sadd.s32 $0x1400, s29;
	[sflag:s21] =	ssyncadd.s32 $0xFFFFC000  }
0x99: {  	[spmem:s1] =	stream.indirect.scatter.add.f32 [tilespmem:s19], [sflag:$0x3], $0x80, s4, s18, $0xb8;
	[tilespmem:$0x1E080] =	vst v63  }
0x9a: {  	_ =	swait.ge [sflag:s16], $0x4000  }
0x9b: {  	[sflag:s16] =	ssyncset.done $0x0  }
0x9c: {  	s30 =	sadd.s32 $0x100, s29;
	[sflag:s16] =	ssyncadd.s32 $0xFFFFC000  }
0x9d: {  	[tilespmem:s19], [sflag:$0x1] =	stream.indirect.gather [hbm4b:s3+s18], $0x80, s30, s18, $0xb8;
	[tilespmem:$0x1E080] =	vst v63  }
0x9e: {  	_ =	swait.ge [sflag:s22], $0x4000  }
0x9f: {  	[sflag:s22] =	ssyncset.done $0x0  }
0xa0: {  	s31 =	sadd.s32 $0x1480, s29;
	[sflag:s22] =	ssyncadd.s32 $0xFFFFC000  }
0xa1: {  	[spmem:s1] =	stream.indirect.scatter.add.f32 [tilespmem:s20], [sflag:$0x3], $0x80, s31, s18, $0xb8;
	[tilespmem:$0x1E080] =	vst v63  }
0xa2: {  	_ =	swait.ge [sflag:s16], $0x4000  }
0xa3: {  	[sflag:s16] =	ssyncset.done $0x0  }
0xa4: {  	[sflag:s16] =	ssyncadd.s32 $0xFFFFC000  }
0xa5: {  	[tilespmem:s20], [sflag:$0x2] =	stream.indirect.gather [hbm4b:s3+s18], $0x80, s23, s18, $0xb8;
	[tilespmem:$0x1E080] =	vst v63  }
0xa6: {  	_ =	swait.ge [sflag:s21], $0x4000  }
0xa7: {  	[sflag:s21] =	ssyncset.done $0x0  }
0xa8: {  	[sflag:s21] =	ssyncadd.s32 $0xFFFFC000  }
0xa9: {  	[spmem:s1] =	stream.indirect.scatter.add.f32 [tilespmem:s19], [sflag:$0x3], $0x80, s24, s18, $0xb8;
	[tilespmem:$0x1E080] =	vst v63  }
0xaa: {  	_ =	swait.ge [sflag:s16], $0x4000  }
0xab: {  	[sflag:s16] =	ssyncset.done $0x0  }
0xac: {  	[sflag:s16] =	ssyncadd.s32 $0xFFFFC000  }
0xad: {  	_ =	swait.ge [sflag:s22], $0x4000  }
0xae: {  	[sflag:s22] =	ssyncset.done $0x0  }
0xaf: {  	[sflag:s22] =	ssyncadd.s32 $0xFFFFC000  }
0xb0: {  	[spmem:s1] =	stream.indirect.scatter.add.f32 [tilespmem:s20], [sflag:$0x3], $0x80, s25, s18, $0xb8;
	[tilespmem:$0x1E080] =	vst v63  }
0xb1: {  	_ =	swait.ge [sflag:s16], $0x4000  }
0xb2: {  	[sflag:s16] =	ssyncset.done $0x0  }
0xb3: {  	[sflag:s16] =	ssyncadd.s32 $0xFFFFC000  }
0xb4: {  	[bflag:$0x0] =	sbarrier.arrive $0xFFFF  }
0xb5: {  	[hbm:s12], [sflag:s5] =	dma.local [spmem:s15], $0x2700  }
0xb6: {  	s26 =	sadd.s32 $0x1, s26;
	_ =	swait.ge [sflag:s16], $0x2700  }
0xb7: {  	p1 =	sne.s32 s26, s14;
	[sflag:s16] =	ssyncset.done $0x0  }
.Ltmp2:
0xb8: {  	s0 =	simm.s32 @!p0 $0x3;
	[sflag:s16] =	ssyncadd.s32 $0xFFFFD900;
	(pc) =	sbr.rel @p1 .LBB2_1-.Ltmp2, $4  }
0xb9: {  	[hbm:s13], [sflag:s5] =	dma.local @!p0 [spmem:s28], $0x100  }
0xba: {  	_ =	swait.ge @!p0 [sflag:s0], $0x100  }
0xbb: {  	[sflag:s0] =	ssyncset.done @!p0 $0x0  }
0xbc: {  	[sflag:s0] =	ssyncadd.s32 @!p0 $0xFFFFFF00  }
0xbd: {  	_ =	sfence.sel $0x180000  }
0xbe: {  	[bflag:$0x0] =	sbarrier.arrive $0xFFFF  }
0xbf: {  	_ =	strace $0x90000047  }
0xc0: {  	[bflag:$0x2] =	sbarrier.arrive $0xFFFF  }
0xc1: {  	s0 =	rddreg [dreg:$0x3]  }
0xc2: {  	s0 =	sadd.s32 @!p0 $0x100000, s0  }
0xc3: {  	[sflag:s0] =	ssyncadd.tile.s32 @!p0 $0x1;
	_ =	shalt  }
.Lfunc_end2:
_tile_overlayer_lowered:
.L_overlay_start_2:
0xc4: {  	(tag) =	ssettag $0x2  }
0xc5: {  	s0 =	rddreg [dreg:$0x0];
	s2 =	stileid.u32  }
0xc6: {  	s1 =	rddreg [dreg:$0x1];
	p0 =	sne.s32 s2, $0x0  }
0xc7: {  	s3 =	rddreg [dreg:$0x2];
	[bflag:$0x3] =	sbarrier.arrive $0xFFFF;
	s2 =	simm.s32 @!p0 $0x1C03  }
0xc8: {  	[timem:s3], [sflag:s2] =	dma.local @!p0 [hbm:s0], s1  }
0xc9: {  	s0 =	simm.s32 @!p0 $0x3  }
0xca: {  	_ =	swait.ge @!p0 [sflag:s0], s1  }
0xcb: {  	s1 =	ssub.s32 @!p0 $0x0, s1;
	[sflag:s0] =	ssyncset.done @!p0 $0x0  }
0xcc: {  	[sflag:s0] =	ssyncadd.s32 @!p0 s1  }
0xcd: {  	[bflag:$0x3] =	sbarrier.arrive $0xFFFF  }
0xce: {  	_ =	shalt  }

</sc_bundles>
